<compile_context>
chip_gen: v7x
topology: tpu7x:2x2x1
jax: 0.10.2.dev20260603
libtpu: 0.0.44.dev20260713+nightly
codegen_flags: <defaults>
</compile_context>

<pallas_src>
import functools

import jax
import jax.numpy as jnp
from jax import lax
from jax.experimental import pallas as pl
from jax.experimental.pallas import tpu as pltpu
from jax.experimental.pallas import tpu_sc as plsc

_MAX_VAL = 52000.0
_MIN_VAL = -53000.0
_NUM_LEVELS = 1000
_C = 24
_T = 256
_C_SC = 4
_NSPLIT = 32 // _C_SC
_TTASK = _T // _NSPLIT
_C_TC = _C - _C_SC
_P = _T // 2
_D = 4096
_W = 128.0
_LANES = 16
_TSUB = 8
_NSUB = 4


def _quant(x):
    y = (x - _MIN_VAL) / (_MAX_VAL - _MIN_VAL) * (_NUM_LEVELS - 1)
    return jnp.clip(jnp.round(y), 0, _NUM_LEVELS - 1).astype(jnp.int32)


def _roll_lanes(x, shift):
    return jnp.concatenate([x[:, -shift:], x[:, :-shift]], axis=1)




def _idx_body(in_ref, out_ref):
    out_ref[...] = _quant(in_ref[...])




@functools.partial(
    pl.kernel,
    mesh=plsc.VectorSubcoreMesh(core_axis_name="c", subcore_axis_name="s"),
    out_type=jax.ShapeDtypeStruct((_C_SC * _NSPLIT, _D), jnp.float32),
    scratch_types=[
        pltpu.VMEM((_TTASK,), jnp.int32),
        pltpu.VMEM((_TSUB, _D), jnp.float32),
        pltpu.VMEM((_TSUB, _D), jnp.float32),
        pltpu.VMEM((_TSUB, _D), jnp.float32),
        pltpu.VMEM((1, _D), jnp.float32),
        pltpu.SemaphoreType.DMA,
        pltpu.SemaphoreType.DMA,
        pltpu.SemaphoreType.DMA,
    ],
)
def _sc_stage(idx_hbm, L_hbm, F_hbm, out_hbm, idxv, fv, r0, r1, acc,
              sf, sg0, sg1):
    wid = lax.axis_index("s") * 2 + lax.axis_index("c")
    c0 = lax.rem(wid, _C_SC)
    tq = wid // _C_SC
    t0 = tq * _TTASK

    pltpu.sync_copy(idx_hbm.at[pl.ds(c0 * _T + t0, _TTASK)], idxv)

    zero = jnp.zeros((_LANES,), jnp.float32)

    def _zero_body(i, _):
        acc[0, pl.ds(i * _LANES, _LANES)] = zero
        return 0

    lax.fori_loop(0, _D // _LANES, _zero_body, 0)

    rbuf = (r0, r1)
    gsem = (sg0, sg1)

    def _start_g(k, b):
        ks = jnp.minimum(k, _NSUB - 1)
        pltpu.async_copy(
            L_hbm.at[idxv.at[pl.ds(ks * _TSUB, _TSUB)]], rbuf[b], gsem[b]
        )

    def _start_f(k):
        ks = jnp.minimum(k, _NSUB - 1)
        pltpu.async_copy(F_hbm.at[pl.ds(t0 + ks * _TSUB, _TSUB)], fv, sf)

    def _wait_g(b):
        pltpu.make_async_copy(
            L_hbm.at[idxv.at[pl.ds(0, _TSUB)]], rbuf[b], gsem[b]
        ).wait()

    def _wait_f():
        pltpu.make_async_copy(F_hbm.at[pl.ds(t0, _TSUB)], fv, sf).wait()

    def _compute(b):
        rows = rbuf[b]

        def _accum(i, _):
            for u in range(4):
                dsl = pl.ds((i * 4 + u) * _LANES, _LANES)
                a = acc[0, dsl]
                for t in range(_TSUB):
                    a = a + rows[t, dsl] * fv[t, dsl]
                acc[0, dsl] = a
            return 0

        lax.fori_loop(0, _D // (_LANES * 4), _accum, 0)

    _start_f(0)
    _start_g(0, 0)

    def _pair(i, _):
        _start_g(2 * i + 1, 1)
        _wait_f()
        _wait_g(0)
        _compute(0)
        _start_f(2 * i + 1)
        _start_g(2 * i + 2, 0)
        _wait_f()
        _wait_g(1)
        _compute(1)
        _start_f(2 * i + 2)
        return 0

    lax.fori_loop(0, _NSUB // 2, _pair, 0)
    _wait_f()
    _wait_g(0)

    pltpu.sync_copy(acc.at[pl.ds(0, 1)], out_hbm.at[pl.ds(c0 * _NSPLIT + tq, 1)])




def _tc_body(in_ref, L_ref, F_ref, out_ref, Lbf_ref, Gm_ref, Fo_ref):
    c = pl.program_id(0)

    @pl.when(c == 0)
    def _():
        Lbf_ref[...] = L_ref[...].astype(jnp.bfloat16)
        fo = F_ref[:, 1, :] * _W
        Fo_ref[...] = fo
        Gm_ref[...] = F_ref[:, 0, :] - fo

    idx_e = _quant(in_ref[0, :, 0:1])
    idx_o = _quant(in_ref[0, :, 1:2])
    lvl = jax.lax.broadcasted_iota(jnp.int32, (_P, _NUM_LEVELS), 1)
    oh = (idx_e == lvl).astype(jnp.bfloat16) + (idx_o == lvl).astype(
        jnp.bfloat16
    ) * jnp.bfloat16(1.0 / _W)
    g = jnp.dot(oh, Lbf_ref[...], preferred_element_type=jnp.float32)
    mask = g > 0
    s = jnp.sum(jnp.where(mask, Gm_ref[...], -Gm_ref[...]) + g * Fo_ref[...],
                axis=0, keepdims=True)
    out_ref[0] = jnp.where(s > 0, 1.0, -1.0)




def _fin_body(p_ref, q_ref, out_ref):
    s = jnp.sum(p_ref[...], axis=1)
    q_sc = jnp.where(s > 0, 1.0, -1.0)
    qa = jnp.concatenate([q_sc, q_ref[...]], axis=0)
    r3 = _roll_lanes(qa, 3)
    r2 = _roll_lanes(qa, 2)
    r1 = _roll_lanes(qa, 1)
    w = (r3[0 : _C - 3] * r2[1 : _C - 2]) * (r1[2 : _C - 1] * qa[3:_C])
    s2 = jnp.sum(w, axis=0, keepdims=True)
    out_ref[...] = jnp.where(s2 > 0, 1.0, -1.0)


@jax.jit
def kernel(input, level_weight, features_weight):
    idx = pl.pallas_call(
        _idx_body,
        out_shape=jax.ShapeDtypeStruct((_C_SC, _T), jnp.int32),
    )(input[:_C_SC])
    idx_flat = jnp.reshape(idx, (_C_SC * _T,))
    partials = _sc_stage(idx_flat, level_weight, features_weight)

    x3 = jnp.reshape(input[_C_SC:], (_C_TC, _P, 2))
    F3 = jnp.reshape(features_weight, (_P, 2, _D))
    q_tc = pl.pallas_call(
        _tc_body,
        grid=(_C_TC,),
        in_specs=[
            pl.BlockSpec((1, _P, 2), lambda c: (c, 0, 0)),
            pl.BlockSpec((_NUM_LEVELS, _D), lambda c: (0, 0)),
            pl.BlockSpec((_P, 2, _D), lambda c: (0, 0, 0)),
        ],
        out_specs=pl.BlockSpec((1, 1, _D), lambda c: (c, 0, 0)),
        out_shape=jax.ShapeDtypeStruct((_C_TC, 1, _D), jnp.float32),
        scratch_shapes=[
            pltpu.VMEM((_NUM_LEVELS, _D), jnp.bfloat16),
            pltpu.VMEM((_P, _D), jnp.float32),
            pltpu.VMEM((_P, _D), jnp.float32),
        ],
    )(x3, level_weight, F3)

    p4 = jnp.reshape(partials, (_C_SC, _NSPLIT, _D))
    out = pl.pallas_call(
        _fin_body,
        out_shape=jax.ShapeDtypeStruct((1, _D), jnp.float32),
    )(p4, jnp.reshape(q_tc, (_C_TC, _D)))
    return out

# --- scband reference (transcript-rebuilt; emitter-appended) ---
"""Pipeline reference for scband-featx-val-encoder-88802743812296 (READ-ONLY COPY).

The authoritative reference and input builder live on the scoring server;
editing this copy changes nothing except your own understanding.
"""

import jax, jax.numpy as jnp
import numpy as np

MAX_VAL = 52000.0
MIN_VAL = -53000.0
NUM_LEVELS = 1000
N_GRAM_SIZE = 4
CHANNELS = 24
TIMESTAMPS = 256
OUT_FEATURES = 4096


def hard_quantize(x):
    return jnp.where(x > 0, 1.0, -1.0).astype(x.dtype)


def permute(x, shifts):
    # torchhd.permute: circular shift of the hypervector along the last dim
    return jnp.roll(x, shifts, axis=-1)


def bind(a, b):
    # MAP VSA bind = elementwise multiply
    return a * b


def multiset(x):
    # torchhd.multiset: bundle (sum) over the second-to-last dim
    return jnp.sum(x, axis=-2)


def ngrams(x, n):
    # faithful port of torchhd.ngrams
    n_gram = permute(x[..., : -(n - 1), :], n - 1)
    for i in range(1, n - 1):
        stacked = permute(x[..., i : i - (n - 1), :], n - 1 - i)
        n_gram = bind(n_gram, stacked)
    n_gram = bind(n_gram, x[..., n - 1 :, :])
    return multiset(n_gram)


def setup_inputs(seed: int = 0) -> dict:
    key = jax.random.key(seed)
    k1, k2, k3 = jax.random.split(key, 3)
    # raw signal values uniformly spanning the Level embedding's [low, high] range
    inp = jax.random.uniform(k1, (CHANNELS, TIMESTAMPS), dtype=jnp.float32, minval=MIN_VAL, maxval=MAX_VAL)
    # embeddings.Level table: NUM_LEVELS bipolar hypervectors (MAP model -> +-1)
    level_weight = jnp.where(jax.random.bernoulli(k2, 0.5, (NUM_LEVELS, OUT_FEATURES)), 1.0, -1.0).astype(jnp.float32)
    # embeddings.Random table: one random bipolar hypervector per timestamp
    features_weight = jnp.where(jax.random.bernoulli(k3, 0.5, (TIMESTAMPS, OUT_FEATURES)), 1.0, -1.0).astype(jnp.float32)
    return {"input": inp, "level_weight": level_weight, "features_weight": features_weight}


def reference(input, level_weight, features_weight):
    x = jnp.reshape(input, (1, CHANNELS, TIMESTAMPS))
    # embeddings.Level forward: value_to_index + clamp + table lookup
    idx = jnp.round((x - MIN_VAL) / (MAX_VAL - MIN_VAL) * (NUM_LEVELS - 1))
    idx = jnp.clip(idx, 0, NUM_LEVELS - 1).astype(jnp.int32)
    idx = jax.lax.stop_gradient(idx)
    signal = jnp.take(level_weight, idx, axis=0)  # [1, C, T, D]
    # bind with per-timestamp random feature hypervectors ([1, T, D] broadcast)
    samples = bind(signal, features_weight[None, :, :])  # [1, C, T, D]
    samples = multiset(samples)  # sum over timestamps -> [1, C, D]
    samples = hard_quantize(samples)
    sample_hv = ngrams(samples, N_GRAM_SIZE)  # windows over channels -> [1, D]
    return hard_quantize(sample_hv)

if __name__ == "__main__":
    import jax
    _d = setup_inputs()
    print(jax.jit(kernel)(*tuple(_d.values())))

</pallas_src>

<mosaic_0001>
#map = affine_map<(d0, d1) -> (0)>
#map1 = affine_map<(d0, d1) -> (0, 0)>
module attributes {stable_mosaic.version = 14 : i64} {
  func.func @_sc_stage(%arg0: i32, %arg1: i32, %arg2: memref<1024xi32, #tpu.memory_space<hbm>>, %arg3: memref<1000x4096xf32, #tpu.memory_space<hbm>>, %arg4: memref<256x4096xf32, #tpu.memory_space<hbm>>, %arg5: memref<32x4096xf32, #tpu.memory_space<hbm>>, %arg6: memref<32xi32, #tpu.memory_space<vmem>>, %arg7: memref<8x4096xf32, #tpu.memory_space<vmem>>, %arg8: memref<8x4096xf32, #tpu.memory_space<vmem>>, %arg9: memref<8x4096xf32, #tpu.memory_space<vmem>>, %arg10: memref<1x4096xf32, #tpu.memory_space<vmem>>, %arg11: memref<!tpu.dma_semaphore, #tpu.memory_space<semaphore_mem>>, %arg12: memref<!tpu.dma_semaphore, #tpu.memory_space<semaphore_mem>>, %arg13: memref<!tpu.dma_semaphore, #tpu.memory_space<semaphore_mem>>) attributes {dimension_semantics = [#tpu.dimension_semantics<core_parallel>, #tpu.dimension_semantics<subcore_parallel>], iteration_bounds = array<i64: 2, 16>, scalar_prefetch = 0 : i64, scratch_operands = 8 : i64, tpu.core_type = #tpu.core_type<sc_vector_subcore>, window_params = [{transform_indices = #map}, {transform_indices = #map1}, {transform_indices = #map1}, {transform_indices = #map1}]} {
    %mul3A = arith.constant 2 : i32
    %mul3A_0 = arith.muli %arg1, %mul3A : i32
    %add3A = arith.addi %mul3A_0, %arg0 : i32
    %rem3A = arith.constant 4 : i32
    %rem3A_1 = arith.remsi %add3A, %rem3A : i32
    %jit3A = arith.constant 4 : i32
    %div3A = arith.divsi %add3A, %jit3A : i32
    %sign3A = arith.constant 0 : i32
    %sign3A_2 = arith.cmpi sgt, %add3A, %sign3A : i32
    %sign3A_3 = arith.extui %sign3A_2 : i1 to i32
    %sign3A_4 = arith.constant 0 : i32
    %sign3A_5 = arith.cmpi slt, %add3A, %sign3A_4 : i32
    %sign3A_6 = arith.extui %sign3A_5 : i1 to i32
    %sign3A_7 = arith.subi %sign3A_3, %sign3A_6 : i32
    %sign3A_8 = arith.constant 0 : i32
    %sign3A_9 = arith.cmpi sgt, %jit3A, %sign3A_8 : i32
    %sign3A_10 = arith.extui %sign3A_9 : i1 to i32
    %sign3A_11 = arith.constant 0 : i32
    %sign3A_12 = arith.cmpi slt, %jit3A, %sign3A_11 : i32
    %sign3A_13 = arith.extui %sign3A_12 : i1 to i32
    %sign3A_14 = arith.subi %sign3A_10, %sign3A_13 : i32
    %ne3A = arith.cmpi ne, %sign3A_7, %sign3A_14 : i32
    %rem3A_15 = arith.remsi %add3A, %jit3A : i32
    %ne3A_16 = arith.constant 0 : i32
    %ne3A_17 = arith.cmpi ne, %rem3A_15, %ne3A_16 : i32
    %and3A = arith.andi %ne3A, %ne3A_17 : i1
    %sub3A = arith.constant 1 : i32
    %sub3A_18 = arith.subi %div3A, %sub3A : i32
    %select_n3A = arith.select %and3A, %sub3A_18, %div3A : i32
    %mul3A_19 = arith.constant 32 : i32
    %mul3A_20 = arith.muli %select_n3A, %mul3A_19 : i32
    %mul3A_21 = arith.constant 256 : i32
    %mul3A_22 = arith.muli %rem3A_1, %mul3A_21 : i32
    %add3A_23 = arith.addi %mul3A_22, %mul3A_20 : i32
    "tpu.region"() ({
      %run_scoped3A = tpu.sem_alloc : memref<!tpu.dma_semaphore, #tpu.memory_space<semaphore_mem>>
      %dma_start3A_66 = tpu.memref_slice %arg2[%add3A_23] : memref<1024xi32, #tpu.memory_space<hbm>> -> memref<32xi32, #tpu.memory_space<hbm>>
      %dma_start3A_67 = tpu.memref_slice %arg2[%add3A_23] : memref<1024xi32, #tpu.memory_space<hbm>> -> memref<32xi32, #tpu.memory_space<hbm>>
      tpu.enqueue_dma source(%dma_start3A_67 : memref<32xi32, #tpu.memory_space<hbm>>) target(%arg6 : memref<32xi32, #tpu.memory_space<vmem>>) target_semaphore(%run_scoped3A : memref<!tpu.dma_semaphore, #tpu.memory_space<semaphore_mem>>)
      %dma_wait3A_68 = tpu.memref_slice %arg2[%add3A_23] : memref<1024xi32, #tpu.memory_space<hbm>> -> memref<32xi32, #tpu.memory_space<hbm>>
      %dma_wait3A_69 = tpu.memref_slice %arg2[%add3A_23] : memref<1024xi32, #tpu.memory_space<hbm>> -> memref<32xi32, #tpu.memory_space<hbm>>
      tpu.wait_dma2 semaphore(%run_scoped3A : memref<!tpu.dma_semaphore, #tpu.memory_space<semaphore_mem>>) src(%dma_wait3A_69 : memref<32xi32, #tpu.memory_space<hbm>>) dst(%arg6 : memref<32xi32, #tpu.memory_space<vmem>>)
      tpu.yield
    }) : () -> ()
    %broadcast_in_dim3A = arith.constant 0.000000e+00 : f32
    %broadcast_in_dim3A_24 = vector.broadcast %broadcast_in_dim3A : f32 to vector<16xf32>
    %scan3A = arith.constant 0 : i32
    %scan3A_25 = arith.constant 0 : i32
    %scan3A_26 = arith.constant 256 : i32
    %scan3A_27 = arith.addi %scan3A_25, %scan3A_26 : i32
    %scan3A_28 = arith.constant 1 : i32
    %scan3A_29 = scf.for %scan3A_66 = %scan3A_25 to %scan3A_27 step %scan3A_28 iter_args(%scan3A_67 = %scan3A) -> (i32)  : i32 {
      %mul3A_68 = arith.constant 16 : i32
      %mul3A_69 = arith.muli %scan3A_66, %mul3A_68 : i32
      %swap3A = arith.constant 0 : i32
      %swap3A_70 = arith.index_cast %swap3A : i32 to index
      %swap3A_71 = arith.index_cast %mul3A_69 : i32 to index
      %swap3A_72 = tpu.vector_load %arg10[%swap3A_70, %swap3A_71] {strides = array<i32>} : memref<1x4096xf32, #tpu.memory_space<vmem>>, vector<1x16xf32>,
      %swap3A_73 = vector.shape_cast %swap3A_72 : vector<1x16xf32> to vector<16xf32>
      %swap3A_74 = vector.shape_cast %broadcast_in_dim3A_24 : vector<16xf32> to vector<1x16xf32>
      tpu.vector_store %arg10[%swap3A_70, %swap3A_71], %swap3A_74 {strides = array<i32>} : memref<1x4096xf32, #tpu.memory_space<vmem>>, vector<1x16xf32>,
      %scan3A_75 = arith.constant 0 : i32
      scf.yield %scan3A_75 : i32
    }
    %scan3A_30 = arith.constant 256 : i32
    %min3A = arith.constant 0 : i32
    %min3A_31 = arith.constant 3 : i32
    %min3A_32 = arith.minsi %min3A, %min3A_31 : i32
    %mul3A_33 = arith.constant 8 : i32
    %mul3A_34 = arith.muli %min3A_32, %mul3A_33 : i32
    %add3A_35 = arith.addi %mul3A_20, %mul3A_34 : i32
    %dma_start3A = arith.constant 0 : i32
    %dma_start3A_36 = tpu.memref_slice %arg4[%add3A_35, %dma_start3A] : memref<256x4096xf32, #tpu.memory_space<hbm>> -> memref<8x4096xf32, #tpu.memory_space<hbm>>
    %dma_start3A_37 = arith.constant 0 : i32
    %dma_start3A_38 = tpu.memref_slice %arg4[%add3A_35, %dma_start3A_37] : memref<256x4096xf32, #tpu.memory_space<hbm>> -> memref<8x4096xf32, #tpu.memory_space<hbm>>
    tpu.enqueue_dma source(%dma_start3A_38 : memref<8x4096xf32, #tpu.memory_space<hbm>>) target(%arg7 : memref<8x4096xf32, #tpu.memory_space<vmem>>) target_semaphore(%arg11 : memref<!tpu.dma_semaphore, #tpu.memory_space<semaphore_mem>>)
    %min3A_39 = arith.constant 0 : i32
    %min3A_40 = arith.constant 3 : i32
    %min3A_41 = arith.minsi %min3A_39, %min3A_40 : i32
    %mul3A_42 = arith.constant 8 : i32
    %mul3A_43 = arith.muli %min3A_41, %mul3A_42 : i32
    %dma_start3A_44 = tpu.memref_slice %arg6[%mul3A_43] : memref<32xi32, #tpu.memory_space<vmem>> -> memref<8xi32, #tpu.memory_space<vmem>>
    %dma_start3A_45 = arith.constant 0 : i32
    %dma_start3A_46 = arith.constant 0 : i32
    %dma_start3A_47 = tpu.memref_slice %arg3[%dma_start3A_45, %dma_start3A_46] : memref<1000x4096xf32, #tpu.memory_space<hbm>> -> memref<1000x4096xf32, #tpu.memory_space<hbm>>
    tpu.enqueue_indirect_dma source(%dma_start3A_47 : memref<1000x4096xf32, #tpu.memory_space<hbm>>) target(%arg8 : memref<8x4096xf32, #tpu.memory_space<vmem>>) offsets(%dma_start3A_44 : memref<8xi32, #tpu.memory_space<vmem>>) semaphore(%arg12 : memref<!tpu.dma_semaphore, #tpu.memory_space<semaphore_mem>>)
    %scan3A_48 = arith.constant 0 : i32
    %scan3A_49 = arith.constant 0 : i32
    %scan3A_50 = arith.constant 2 : i32
    %scan3A_51 = arith.addi %scan3A_49, %scan3A_50 : i32
    %scan3A_52 = arith.constant 1 : i32
    %scan3A_53 = scf.for %scan3A_66 = %scan3A_49 to %scan3A_51 step %scan3A_52 iter_args(%scan3A_67 = %scan3A_48) -> (i32)  : i32 {
      %mul3A_68 = arith.constant 2 : i32
      %mul3A_69 = arith.muli %mul3A_68, %scan3A_66 : i32
      %add3A_70 = arith.constant 1 : i32
      %add3A_71 = arith.addi %mul3A_69, %add3A_70 : i32
      %min3A_72 = arith.constant 3 : i32
      %min3A_73 = arith.minsi %add3A_71, %min3A_72 : i32
      %mul3A_74 = arith.constant 8 : i32
      %mul3A_75 = arith.muli %min3A_73, %mul3A_74 : i32
      %dma_start3A_76 = tpu.memref_slice %arg6[%mul3A_75] : memref<32xi32, #tpu.memory_space<vmem>> -> memref<8xi32, #tpu.memory_space<vmem>>
      %dma_start3A_77 = arith.constant 0 : i32
      %dma_start3A_78 = arith.constant 0 : i32
      %dma_start3A_79 = tpu.memref_slice %arg3[%dma_start3A_77, %dma_start3A_78] : memref<1000x4096xf32, #tpu.memory_space<hbm>> -> memref<1000x4096xf32, #tpu.memory_space<hbm>>
      tpu.enqueue_indirect_dma source(%dma_start3A_79 : memref<1000x4096xf32, #tpu.memory_space<hbm>>) target(%arg9 : memref<8x4096xf32, #tpu.memory_space<vmem>>) offsets(%dma_start3A_76 : memref<8xi32, #tpu.memory_space<vmem>>) semaphore(%arg13 : memref<!tpu.dma_semaphore, #tpu.memory_space<semaphore_mem>>)
      %dma_wait3A_80 = arith.constant 0 : i32
      %dma_wait3A_81 = tpu.memref_slice %arg4[%mul3A_20, %dma_wait3A_80] : memref<256x4096xf32, #tpu.memory_space<hbm>> -> memref<8x4096xf32, #tpu.memory_space<hbm>>
      %dma_wait3A_82 = arith.constant 0 : i32
      %dma_wait3A_83 = tpu.memref_slice %arg4[%mul3A_20, %dma_wait3A_82] : memref<256x4096xf32, #tpu.memory_space<hbm>> -> memref<8x4096xf32, #tpu.memory_space<hbm>>
      tpu.wait_dma2 semaphore(%arg11 : memref<!tpu.dma_semaphore, #tpu.memory_space<semaphore_mem>>) src(%dma_wait3A_83 : memref<8x4096xf32, #tpu.memory_space<hbm>>) dst(%arg7 : memref<8x4096xf32, #tpu.memory_space<vmem>>)
      %dma_wait3A_84 = arith.constant 0 : i32
      %dma_wait3A_85 = tpu.memref_slice %arg6[%dma_wait3A_84] : memref<32xi32, #tpu.memory_space<vmem>> -> memref<8xi32, #tpu.memory_space<vmem>>
      %dma_wait3A_86 = arith.constant 0 : i32
      %dma_wait3A_87 = arith.constant 0 : i32
      %dma_wait3A_88 = tpu.memref_slice %arg3[%dma_wait3A_86, %dma_wait3A_87] : memref<1000x4096xf32, #tpu.memory_space<hbm>> -> memref<1000x4096xf32, #tpu.memory_space<hbm>>
      tpu.wait_indirect_dma semaphore(%arg12 : memref<!tpu.dma_semaphore, #tpu.memory_space<semaphore_mem>>) src(%dma_wait3A_88 : memref<1000x4096xf32, #tpu.memory_space<hbm>>) dst(%arg8 : memref<8x4096xf32, #tpu.memory_space<vmem>>)
      %scan3A_89 = arith.constant 0 : i32
      %scan3A_90 = arith.constant 0 : i32
      %scan3A_91 = arith.constant 64 : i32
      %scan3A_92 = arith.addi %scan3A_90, %scan3A_91 : i32
      %scan3A_93 = arith.constant 1 : i32
      %scan3A_94 = scf.for %scan3A_151 = %scan3A_90 to %scan3A_92 step %scan3A_93 iter_args(%scan3A_152 = %scan3A_89) -> (i32)  : i32 {
        %mul3A_153 = arith.constant 4 : i32
        %mul3A_154 = arith.muli %scan3A_151, %mul3A_153 : i32
        %add3A_155 = arith.constant 0 : i32
        %add3A_156 = arith.addi %mul3A_154, %add3A_155 : i32
        %mul3A_157 = arith.constant 16 : i32
        %mul3A_158 = arith.muli %add3A_156, %mul3A_157 : i32
        %get3A = arith.constant 0 : i32
        %get3A_159 = arith.index_cast %get3A : i32 to index
        %get3A_160 = arith.index_cast %mul3A_158 : i32 to index
        %get3A_161 = tpu.vector_load %arg10[%get3A_159, %get3A_160] {strides = array<i32>} : memref<1x4096xf32, #tpu.memory_space<vmem>>, vector<1x16xf32>,
        %get3A_162 = vector.shape_cast %get3A_161 : vector<1x16xf32> to vector<16xf32>
        %get3A_163 = arith.constant 0 : i32
        %get3A_164 = arith.index_cast %get3A_163 : i32 to index
        %get3A_165 = arith.index_cast %mul3A_158 : i32 to index
        %get3A_166 = tpu.vector_load %arg8[%get3A_164, %get3A_165] {strides = array<i32>} : memref<8x4096xf32, #tpu.memory_space<vmem>>, vector<1x16xf32>,
        %get3A_167 = vector.shape_cast %get3A_166 : vector<1x16xf32> to vector<16xf32>
        %get3A_168 = arith.constant 0 : i32
        %get3A_169 = arith.index_cast %get3A_168 : i32 to index
        %get3A_170 = arith.index_cast %mul3A_158 : i32 to index
        %get3A_171 = tpu.vector_load %arg7[%get3A_169, %get3A_170] {strides = array<i32>} : memref<8x4096xf32, #tpu.memory_space<vmem>>, vector<1x16xf32>,
        %get3A_172 = vector.shape_cast %get3A_171 : vector<1x16xf32> to vector<16xf32>
        %mul3A_173 = arith.mulf %get3A_167, %get3A_172 : vector<16xf32>
        %add3A_174 = arith.addf %get3A_162, %mul3A_173 : vector<16xf32>
        %get3A_175 = arith.constant 1 : i32
        %get3A_176 = arith.index_cast %get3A_175 : i32 to index
        %get3A_177 = arith.index_cast %mul3A_158 : i32 to index
        %get3A_178 = tpu.vector_load %arg8[%get3A_176, %get3A_177] {strides = array<i32>} : memref<8x4096xf32, #tpu.memory_space<vmem>>, vector<1x16xf32>,
        %get3A_179 = vector.shape_cast %get3A_178 : vector<1x16xf32> to vector<16xf32>
        %get3A_180 = arith.constant 1 : i32
        %get3A_181 = arith.index_cast %get3A_180 : i32 to index
        %get3A_182 = arith.index_cast %mul3A_158 : i32 to index
        %get3A_183 = tpu.vector_load %arg7[%get3A_181, %get3A_182] {strides = array<i32>} : memref<8x4096xf32, #tpu.memory_space<vmem>>, vector<1x16xf32>,
        %get3A_184 = vector.shape_cast %get3A_183 : vector<1x16xf32> to vector<16xf32>
        %mul3A_185 = arith.mulf %get3A_179, %get3A_184 : vector<16xf32>
        %add3A_186 = arith.addf %add3A_174, %mul3A_185 : vector<16xf32>
        %get3A_187 = arith.constant 2 : i32
        %get3A_188 = arith.index_cast %get3A_187 : i32 to index
        %get3A_189 = arith.index_cast %mul3A_158 : i32 to index
        %get3A_190 = tpu.vector_load %arg8[%get3A_188, %get3A_189] {strides = array<i32>} : memref<8x4096xf32, #tpu.memory_space<vmem>>, vector<1x16xf32>,
        %get3A_191 = vector.shape_cast %get3A_190 : vector<1x16xf32> to vector<16xf32>
        %get3A_192 = arith.constant 2 : i32
        %get3A_193 = arith.index_cast %get3A_192 : i32 to index
        %get3A_194 = arith.index_cast %mul3A_158 : i32 to index
        %get3A_195 = tpu.vector_load %arg7[%get3A_193, %get3A_194] {strides = array<i32>} : memref<8x4096xf32, #tpu.memory_space<vmem>>, vector<1x16xf32>,
        %get3A_196 = vector.shape_cast %get3A_195 : vector<1x16xf32> to vector<16xf32>
        %mul3A_197 = arith.mulf %get3A_191, %get3A_196 : vector<16xf32>
        %add3A_198 = arith.addf %add3A_186, %mul3A_197 : vector<16xf32>
        %get3A_199 = arith.constant 3 : i32
        %get3A_200 = arith.index_cast %get3A_199 : i32 to index
        %get3A_201 = arith.index_cast %mul3A_158 : i32 to index
        %get3A_202 = tpu.vector_load %arg8[%get3A_200, %get3A_201] {strides = array<i32>} : memref<8x4096xf32, #tpu.memory_space<vmem>>, vector<1x16xf32>,
        %get3A_203 = vector.shape_cast %get3A_202 : vector<1x16xf32> to vector<16xf32>
        %get3A_204 = arith.constant 3 : i32
        %get3A_205 = arith.index_cast %get3A_204 : i32 to index
        %get3A_206 = arith.index_cast %mul3A_158 : i32 to index
        %get3A_207 = tpu.vector_load %arg7[%get3A_205, %get3A_206] {strides = array<i32>} : memref<8x4096xf32, #tpu.memory_space<vmem>>, vector<1x16xf32>,
        %get3A_208 = vector.shape_cast %get3A_207 : vector<1x16xf32> to vector<16xf32>
        %mul3A_209 = arith.mulf %get3A_203, %get3A_208 : vector<16xf32>
        %add3A_210 = arith.addf %add3A_198, %mul3A_209 : vector<16xf32>
        %get3A_211 = arith.constant 4 : i32
        %get3A_212 = arith.index_cast %get3A_211 : i32 to index
        %get3A_213 = arith.index_cast %mul3A_158 : i32 to index
        %get3A_214 = tpu.vector_load %arg8[%get3A_212, %get3A_213] {strides = array<i32>} : memref<8x4096xf32, #tpu.memory_space<vmem>>, vector<1x16xf32>,
        %get3A_215 = vector.shape_cast %get3A_214 : vector<1x16xf32> to vector<16xf32>
        %get3A_216 = arith.constant 4 : i32
        %get3A_217 = arith.index_cast %get3A_216 : i32 to index
        %get3A_218 = arith.index_cast %mul3A_158 : i32 to index
        %get3A_219 = tpu.vector_load %arg7[%get3A_217, %get3A_218] {strides = array<i32>} : memref<8x4096xf32, #tpu.memory_space<vmem>>, vector<1x16xf32>,
        %get3A_220 = vector.shape_cast %get3A_219 : vector<1x16xf32> to vector<16xf32>
        %mul3A_221 = arith.mulf %get3A_215, %get3A_220 : vector<16xf32>
        %add3A_222 = arith.addf %add3A_210, %mul3A_221 : vector<16xf32>
        %get3A_223 = arith.constant 5 : i32
        %get3A_224 = arith.index_cast %get3A_223 : i32 to index
        %get3A_225 = arith.index_cast %mul3A_158 : i32 to index
        %get3A_226 = tpu.vector_load %arg8[%get3A_224, %get3A_225] {strides = array<i32>} : memref<8x4096xf32, #tpu.memory_space<vmem>>, vector<1x16xf32>,
        %get3A_227 = vector.shape_cast %get3A_226 : vector<1x16xf32> to vector<16xf32>
        %get3A_228 = arith.constant 5 : i32
        %get3A_229 = arith.index_cast %get3A_228 : i32 to index
        %get3A_230 = arith.index_cast %mul3A_158 : i32 to index
        %get3A_231 = tpu.vector_load %arg7[%get3A_229, %get3A_230] {strides = array<i32>} : memref<8x4096xf32, #tpu.memory_space<vmem>>, vector<1x16xf32>,
        %get3A_232 = vector.shape_cast %get3A_231 : vector<1x16xf32> to vector<16xf32>
        %mul3A_233 = arith.mulf %get3A_227, %get3A_232 : vector<16xf32>
        %add3A_234 = arith.addf %add3A_222, %mul3A_233 : vector<16xf32>
        %get3A_235 = arith.constant 6 : i32
        %get3A_236 = arith.index_cast %get3A_235 : i32 to index
        %get3A_237 = arith.index_cast %mul3A_158 : i32 to index
        %get3A_238 = tpu.vector_load %arg8[%get3A_236, %get3A_237] {strides = array<i32>} : memref<8x4096xf32, #tpu.memory_space<vmem>>, vector<1x16xf32>,
        %get3A_239 = vector.shape_cast %get3A_238 : vector<1x16xf32> to vector<16xf32>
        %get3A_240 = arith.constant 6 : i32
        %get3A_241 = arith.index_cast %get3A_240 : i32 to index
        %get3A_242 = arith.index_cast %mul3A_158 : i32 to index
        %get3A_243 = tpu.vector_load %arg7[%get3A_241, %get3A_242] {strides = array<i32>} : memref<8x4096xf32, #tpu.memory_space<vmem>>, vector<1x16xf32>,
        %get3A_244 = vector.shape_cast %get3A_243 : vector<1x16xf32> to vector<16xf32>
        %mul3A_245 = arith.mulf %get3A_239, %get3A_244 : vector<16xf32>
        %add3A_246 = arith.addf %add3A_234, %mul3A_245 : vector<16xf32>
        %get3A_247 = arith.constant 7 : i32
        %get3A_248 = arith.index_cast %get3A_247 : i32 to index
        %get3A_249 = arith.index_cast %mul3A_158 : i32 to index
        %get3A_250 = tpu.vector_load %arg8[%get3A_248, %get3A_249] {strides = array<i32>} : memref<8x4096xf32, #tpu.memory_space<vmem>>, vector<1x16xf32>,
        %get3A_251 = vector.shape_cast %get3A_250 : vector<1x16xf32> to vector<16xf32>
        %get3A_252 = arith.constant 7 : i32
        %get3A_253 = arith.index_cast %get3A_252 : i32 to index
        %get3A_254 = arith.index_cast %mul3A_158 : i32 to index
        %get3A_255 = tpu.vector_load %arg7[%get3A_253, %get3A_254] {strides = array<i32>} : memref<8x4096xf32, #tpu.memory_space<vmem>>, vector<1x16xf32>,
        %get3A_256 = vector.shape_cast %get3A_255 : vector<1x16xf32> to vector<16xf32>
        %mul3A_257 = arith.mulf %get3A_251, %get3A_256 : vector<16xf32>
        %add3A_258 = arith.addf %add3A_246, %mul3A_257 : vector<16xf32>
        %swap3A = arith.constant 0 : i32
        %swap3A_259 = arith.index_cast %swap3A : i32 to index
        %swap3A_260 = arith.index_cast %mul3A_158 : i32 to index
        %swap3A_261 = tpu.vector_load %arg10[%swap3A_259, %swap3A_260] {strides = array<i32>} : memref<1x4096xf32, #tpu.memory_space<vmem>>, vector<1x16xf32>,
        %swap3A_262 = vector.shape_cast %swap3A_261 : vector<1x16xf32> to vector<16xf32>
        %swap3A_263 = vector.shape_cast %add3A_258 : vector<16xf32> to vector<1x16xf32>
        tpu.vector_store %arg10[%swap3A_259, %swap3A_260], %swap3A_263 {strides = array<i32>} : memref<1x4096xf32, #tpu.memory_space<vmem>>, vector<1x16xf32>,
        %mul3A_264 = arith.constant 4 : i32
        %mul3A_265 = arith.muli %scan3A_151, %mul3A_264 : i32
        %add3A_266 = arith.constant 1 : i32
        %add3A_267 = arith.addi %mul3A_265, %add3A_266 : i32
        %mul3A_268 = arith.constant 16 : i32
        %mul3A_269 = arith.muli %add3A_267, %mul3A_268 : i32
        %get3A_270 = arith.constant 0 : i32
        %get3A_271 = arith.index_cast %get3A_270 : i32 to index
        %get3A_272 = arith.index_cast %mul3A_269 : i32 to index
        %get3A_273 = tpu.vector_load %arg10[%get3A_271, %get3A_272] {strides = array<i32>} : memref<1x4096xf32, #tpu.memory_space<vmem>>, vector<1x16xf32>,
        %get3A_274 = vector.shape_cast %get3A_273 : vector<1x16xf32> to vector<16xf32>
        %get3A_275 = arith.constant 0 : i32
        %get3A_276 = arith.index_cast %get3A_275 : i32 to index
        %get3A_277 = arith.index_cast %mul3A_269 : i32 to index
        %get3A_278 = tpu.vector_load %arg8[%get3A_276, %get3A_277] {strides = array<i32>} : memref<8x4096xf32, #tpu.memory_space<vmem>>, vector<1x16xf32>,
        %get3A_279 = vector.shape_cast %get3A_278 : vector<1x16xf32> to vector<16xf32>
        %get3A_280 = arith.constant 0 : i32
        %get3A_281 = arith.index_cast %get3A_280 : i32 to index
        %get3A_282 = arith.index_cast %mul3A_269 : i32 to index
        %get3A_283 = tpu.vector_load %arg7[%get3A_281, %get3A_282] {strides = array<i32>} : memref<8x4096xf32, #tpu.memory_space<vmem>>, vector<1x16xf32>,
        %get3A_284 = vector.shape_cast %get3A_283 : vector<1x16xf32> to vector<16xf32>
        %mul3A_285 = arith.mulf %get3A_279, %get3A_284 : vector<16xf32>
        %add3A_286 = arith.addf %get3A_274, %mul3A_285 : vector<16xf32>
        %get3A_287 = arith.constant 1 : i32
        %get3A_288 = arith.index_cast %get3A_287 : i32 to index
        %get3A_289 = arith.index_cast %mul3A_269 : i32 to index
        %get3A_290 = tpu.vector_load %arg8[%get3A_288, %get3A_289] {strides = array<i32>} : memref<8x4096xf32, #tpu.memory_space<vmem>>, vector<1x16xf32>,
        %get3A_291 = vector.shape_cast %get3A_290 : vector<1x16xf32> to vector<16xf32>
        %get3A_292 = arith.constant 1 : i32
        %get3A_293 = arith.index_cast %get3A_292 : i32 to index
        %get3A_294 = arith.index_cast %mul3A_269 : i32 to index
        %get3A_295 = tpu.vector_load %arg7[%get3A_293, %get3A_294] {strides = array<i32>} : memref<8x4096xf32, #tpu.memory_space<vmem>>, vector<1x16xf32>,
        %get3A_296 = vector.shape_cast %get3A_295 : vector<1x16xf32> to vector<16xf32>
        %mul3A_297 = arith.mulf %get3A_291, %get3A_296 : vector<16xf32>
        %add3A_298 = arith.addf %add3A_286, %mul3A_297 : vector<16xf32>
        %get3A_299 = arith.constant 2 : i32
        %get3A_300 = arith.index_cast %get3A_299 : i32 to index
        %get3A_301 = arith.index_cast %mul3A_269 : i32 to index
        %get3A_302 = tpu.vector_load %arg8[%get3A_300, %get3A_301] {strides = array<i32>} : memref<8x4096xf32, #tpu.memory_space<vmem>>, vector<1x16xf32>,
        %get3A_303 = vector.shape_cast %get3A_302 : vector<1x16xf32> to vector<16xf32>
        %get3A_304 = arith.constant 2 : i32
        %get3A_305 = arith.index_cast %get3A_304 : i32 to index
        %get3A_306 = arith.index_cast %mul3A_269 : i32 to index
        %get3A_307 = tpu.vector_load %arg7[%get3A_305, %get3A_306] {strides = array<i32>} : memref<8x4096xf32, #tpu.memory_space<vmem>>, vector<1x16xf32>,
        %get3A_308 = vector.shape_cast %get3A_307 : vector<1x16xf32> to vector<16xf32>
        %mul3A_309 = arith.mulf %get3A_303, %get3A_308 : vector<16xf32>
        %add3A_310 = arith.addf %add3A_298, %mul3A_309 : vector<16xf32>
        %get3A_311 = arith.constant 3 : i32
        %get3A_312 = arith.index_cast %get3A_311 : i32 to index
        %get3A_313 = arith.index_cast %mul3A_269 : i32 to index
        %get3A_314 = tpu.vector_load %arg8[%get3A_312, %get3A_313] {strides = array<i32>} : memref<8x4096xf32, #tpu.memory_space<vmem>>, vector<1x16xf32>,
        %get3A_315 = vector.shape_cast %get3A_314 : vector<1x16xf32> to vector<16xf32>
        %get3A_316 = arith.constant 3 : i32
        %get3A_317 = arith.index_cast %get3A_316 : i32 to index
        %get3A_318 = arith.index_cast %mul3A_269 : i32 to index
        %get3A_319 = tpu.vector_load %arg7[%get3A_317, %get3A_318] {strides = array<i32>} : memref<8x4096xf32, #tpu.memory_space<vmem>>, vector<1x16xf32>,
        %get3A_320 = vector.shape_cast %get3A_319 : vector<1x16xf32> to vector<16xf32>
        %mul3A_321 = arith.mulf %get3A_315, %get3A_320 : vector<16xf32>
        %add3A_322 = arith.addf %add3A_310, %mul3A_321 : vector<16xf32>
        %get3A_323 = arith.constant 4 : i32
        %get3A_324 = arith.index_cast %get3A_323 : i32 to index
        %get3A_325 = arith.index_cast %mul3A_269 : i32 to index
        %get3A_326 = tpu.vector_load %arg8[%get3A_324, %get3A_325] {strides = array<i32>} : memref<8x4096xf32, #tpu.memory_space<vmem>>, vector<1x16xf32>,
        %get3A_327 = vector.shape_cast %get3A_326 : vector<1x16xf32> to vector<16xf32>
        %get3A_328 = arith.constant 4 : i32
        %get3A_329 = arith.index_cast %get3A_328 : i32 to index
        %get3A_330 = arith.index_cast %mul3A_269 : i32 to index
        %get3A_331 = tpu.vector_load %arg7[%get3A_329, %get3A_330] {strides = array<i32>} : memref<8x4096xf32, #tpu.memory_space<vmem>>, vector<1x16xf32>,
        %get3A_332 = vector.shape_cast %get3A_331 : vector<1x16xf32> to vector<16xf32>
        %mul3A_333 = arith.mulf %get3A_327, %get3A_332 : vector<16xf32>
        %add3A_334 = arith.addf %add3A_322, %mul3A_333 : vector<16xf32>
        %get3A_335 = arith.constant 5 : i32
        %get3A_336 = arith.index_cast %get3A_335 : i32 to index
        %get3A_337 = arith.index_cast %mul3A_269 : i32 to index
        %get3A_338 = tpu.vector_load %arg8[%get3A_336, %get3A_337] {strides = array<i32>} : memref<8x4096xf32, #tpu.memory_space<vmem>>, vector<1x16xf32>,
        %get3A_339 = vector.shape_cast %get3A_338 : vector<1x16xf32> to vector<16xf32>
        %get3A_340 = arith.constant 5 : i32
        %get3A_341 = arith.index_cast %get3A_340 : i32 to index
        %get3A_342 = arith.index_cast %mul3A_269 : i32 to index
        %get3A_343 = tpu.vector_load %arg7[%get3A_341, %get3A_342] {strides = array<i32>} : memref<8x4096xf32, #tpu.memory_space<vmem>>, vector<1x16xf32>,
        %get3A_344 = vector.shape_cast %get3A_343 : vector<1x16xf32> to vector<16xf32>
        %mul3A_345 = arith.mulf %get3A_339, %get3A_344 : vector<16xf32>
        %add3A_346 = arith.addf %add3A_334, %mul3A_345 : vector<16xf32>
        %get3A_347 = arith.constant 6 : i32
        %get3A_348 = arith.index_cast %get3A_347 : i32 to index
        %get3A_349 = arith.index_cast %mul3A_269 : i32 to index
        %get3A_350 = tpu.vector_load %arg8[%get3A_348, %get3A_349] {strides = array<i32>} : memref<8x4096xf32, #tpu.memory_space<vmem>>, vector<1x16xf32>,
        %get3A_351 = vector.shape_cast %get3A_350 : vector<1x16xf32> to vector<16xf32>
        %get3A_352 = arith.constant 6 : i32
        %get3A_353 = arith.index_cast %get3A_352 : i32 to index
        %get3A_354 = arith.index_cast %mul3A_269 : i32 to index
        %get3A_355 = tpu.vector_load %arg7[%get3A_353, %get3A_354] {strides = array<i32>} : memref<8x4096xf32, #tpu.memory_space<vmem>>, vector<1x16xf32>,
        %get3A_356 = vector.shape_cast %get3A_355 : vector<1x16xf32> to vector<16xf32>
        %mul3A_357 = arith.mulf %get3A_351, %get3A_356 : vector<16xf32>
        %add3A_358 = arith.addf %add3A_346, %mul3A_357 : vector<16xf32>
        %get3A_359 = arith.constant 7 : i32
        %get3A_360 = arith.index_cast %get3A_359 : i32 to index
        %get3A_361 = arith.index_cast %mul3A_269 : i32 to index
        %get3A_362 = tpu.vector_load %arg8[%get3A_360, %get3A_361] {strides = array<i32>} : memref<8x4096xf32, #tpu.memory_space<vmem>>, vector<1x16xf32>,
        %get3A_363 = vector.shape_cast %get3A_362 : vector<1x16xf32> to vector<16xf32>
        %get3A_364 = arith.constant 7 : i32
        %get3A_365 = arith.index_cast %get3A_364 : i32 to index
        %get3A_366 = arith.index_cast %mul3A_269 : i32 to index
        %get3A_367 = tpu.vector_load %arg7[%get3A_365, %get3A_366] {strides = array<i32>} : memref<8x4096xf32, #tpu.memory_space<vmem>>, vector<1x16xf32>,
        %get3A_368 = vector.shape_cast %get3A_367 : vector<1x16xf32> to vector<16xf32>
        %mul3A_369 = arith.mulf %get3A_363, %get3A_368 : vector<16xf32>
        %add3A_370 = arith.addf %add3A_358, %mul3A_369 : vector<16xf32>
        %swap3A_371 = arith.constant 0 : i32
        %swap3A_372 = arith.index_cast %swap3A_371 : i32 to index
        %swap3A_373 = arith.index_cast %mul3A_269 : i32 to index
        %swap3A_374 = tpu.vector_load %arg10[%swap3A_372, %swap3A_373] {strides = array<i32>} : memref<1x4096xf32, #tpu.memory_space<vmem>>, vector<1x16xf32>,
        %swap3A_375 = vector.shape_cast %swap3A_374 : vector<1x16xf32> to vector<16xf32>
        %swap3A_376 = vector.shape_cast %add3A_370 : vector<16xf32> to vector<1x16xf32>
        tpu.vector_store %arg10[%swap3A_372, %swap3A_373], %swap3A_376 {strides = array<i32>} : memref<1x4096xf32, #tpu.memory_space<vmem>>, vector<1x16xf32>,
        %mul3A_377 = arith.constant 4 : i32
        %mul3A_378 = arith.muli %scan3A_151, %mul3A_377 : i32
        %add3A_379 = arith.constant 2 : i32
        %add3A_380 = arith.addi %mul3A_378, %add3A_379 : i32
        %mul3A_381 = arith.constant 16 : i32
        %mul3A_382 = arith.muli %add3A_380, %mul3A_381 : i32
        %get3A_383 = arith.constant 0 : i32
        %get3A_384 = arith.index_cast %get3A_383 : i32 to index
        %get3A_385 = arith.index_cast %mul3A_382 : i32 to index
        %get3A_386 = tpu.vector_load %arg10[%get3A_384, %get3A_385] {strides = array<i32>} : memref<1x4096xf32, #tpu.memory_space<vmem>>, vector<1x16xf32>,
        %get3A_387 = vector.shape_cast %get3A_386 : vector<1x16xf32> to vector<16xf32>
        %get3A_388 = arith.constant 0 : i32
        %get3A_389 = arith.index_cast %get3A_388 : i32 to index
        %get3A_390 = arith.index_cast %mul3A_382 : i32 to index
        %get3A_391 = tpu.vector_load %arg8[%get3A_389, %get3A_390] {strides = array<i32>} : memref<8x4096xf32, #tpu.memory_space<vmem>>, vector<1x16xf32>,
        %get3A_392 = vector.shape_cast %get3A_391 : vector<1x16xf32> to vector<16xf32>
        %get3A_393 = arith.constant 0 : i32
        %get3A_394 = arith.index_cast %get3A_393 : i32 to index
        %get3A_395 = arith.index_cast %mul3A_382 : i32 to index
        %get3A_396 = tpu.vector_load %arg7[%get3A_394, %get3A_395] {strides = array<i32>} : memref<8x4096xf32, #tpu.memory_space<vmem>>, vector<1x16xf32>,
        %get3A_397 = vector.shape_cast %get3A_396 : vector<1x16xf32> to vector<16xf32>
        %mul3A_398 = arith.mulf %get3A_392, %get3A_397 : vector<16xf32>
        %add3A_399 = arith.addf %get3A_387, %mul3A_398 : vector<16xf32>
        %get3A_400 = arith.constant 1 : i32
        %get3A_401 = arith.index_cast %get3A_400 : i32 to index
        %get3A_402 = arith.index_cast %mul3A_382 : i32 to index
        %get3A_403 = tpu.vector_load %arg8[%get3A_401, %get3A_402] {strides = array<i32>} : memref<8x4096xf32, #tpu.memory_space<vmem>>, vector<1x16xf32>,
        %get3A_404 = vector.shape_cast %get3A_403 : vector<1x16xf32> to vector<16xf32>
        %get3A_405 = arith.constant 1 : i32
        %get3A_406 = arith.index_cast %get3A_405 : i32 to index
        %get3A_407 = arith.index_cast %mul3A_382 : i32 to index
        %get3A_408 = tpu.vector_load %arg7[%get3A_406, %get3A_407] {strides = array<i32>} : memref<8x4096xf32, #tpu.memory_space<vmem>>, vector<1x16xf32>,
        %get3A_409 = vector.shape_cast %get3A_408 : vector<1x16xf32> to vector<16xf32>
        %mul3A_410 = arith.mulf %get3A_404, %get3A_409 : vector<16xf32>
        %add3A_411 = arith.addf %add3A_399, %mul3A_410 : vector<16xf32>
        %get3A_412 = arith.constant 2 : i32
        %get3A_413 = arith.index_cast %get3A_412 : i32 to index
        %get3A_414 = arith.index_cast %mul3A_382 : i32 to index
        %get3A_415 = tpu.vector_load %arg8[%get3A_413, %get3A_414] {strides = array<i32>} : memref<8x4096xf32, #tpu.memory_space<vmem>>, vector<1x16xf32>,
        %get3A_416 = vector.shape_cast %get3A_415 : vector<1x16xf32> to vector<16xf32>
        %get3A_417 = arith.constant 2 : i32
        %get3A_418 = arith.index_cast %get3A_417 : i32 to index
        %get3A_419 = arith.index_cast %mul3A_382 : i32 to index
        %get3A_420 = tpu.vector_load %arg7[%get3A_418, %get3A_419] {strides = array<i32>} : memref<8x4096xf32, #tpu.memory_space<vmem>>, vector<1x16xf32>,
        %get3A_421 = vector.shape_cast %get3A_420 : vector<1x16xf32> to vector<16xf32>
        %mul3A_422 = arith.mulf %get3A_416, %get3A_421 : vector<16xf32>
        %add3A_423 = arith.addf %add3A_411, %mul3A_422 : vector<16xf32>
        %get3A_424 = arith.constant 3 : i32
        %get3A_425 = arith.index_cast %get3A_424 : i32 to index
        %get3A_426 = arith.index_cast %mul3A_382 : i32 to index
        %get3A_427 = tpu.vector_load %arg8[%get3A_425, %get3A_426] {strides = array<i32>} : memref<8x4096xf32, #tpu.memory_space<vmem>>, vector<1x16xf32>,
        %get3A_428 = vector.shape_cast %get3A_427 : vector<1x16xf32> to vector<16xf32>
        %get3A_429 = arith.constant 3 : i32
        %get3A_430 = arith.index_cast %get3A_429 : i32 to index
        %get3A_431 = arith.index_cast %mul3A_382 : i32 to index
        %get3A_432 = tpu.vector_load %arg7[%get3A_430, %get3A_431] {strides = array<i32>} : memref<8x4096xf32, #tpu.memory_space<vmem>>, vector<1x16xf32>,
        %get3A_433 = vector.shape_cast %get3A_432 : vector<1x16xf32> to vector<16xf32>
        %mul3A_434 = arith.mulf %get3A_428, %get3A_433 : vector<16xf32>
        %add3A_435 = arith.addf %add3A_423, %mul3A_434 : vector<16xf32>
        %get3A_436 = arith.constant 4 : i32
        %get3A_437 = arith.index_cast %get3A_436 : i32 to index
        %get3A_438 = arith.index_cast %mul3A_382 : i32 to index
        %get3A_439 = tpu.vector_load %arg8[%get3A_437, %get3A_438] {strides = array<i32>} : memref<8x4096xf32, #tpu.memory_space<vmem>>, vector<1x16xf32>,
        %get3A_440 = vector.shape_cast %get3A_439 : vector<1x16xf32> to vector<16xf32>
        %get3A_441 = arith.constant 4 : i32
        %get3A_442 = arith.index_cast %get3A_441 : i32 to index
        %get3A_443 = arith.index_cast %mul3A_382 : i32 to index
        %get3A_444 = tpu.vector_load %arg7[%get3A_442, %get3A_443] {strides = array<i32>} : memref<8x4096xf32, #tpu.memory_space<vmem>>, vector<1x16xf32>,
        %get3A_445 = vector.shape_cast %get3A_444 : vector<1x16xf32> to vector<16xf32>
        %mul3A_446 = arith.mulf %get3A_440, %get3A_445 : vector<16xf32>
        %add3A_447 = arith.addf %add3A_435, %mul3A_446 : vector<16xf32>
        %get3A_448 = arith.constant 5 : i32
        %get3A_449 = arith.index_cast %get3A_448 : i32 to index
        %get3A_450 = arith.index_cast %mul3A_382 : i32 to index
        %get3A_451 = tpu.vector_load %arg8[%get3A_449, %get3A_450] {strides = array<i32>} : memref<8x4096xf32, #tpu.memory_space<vmem>>, vector<1x16xf32>,
        %get3A_452 = vector.shape_cast %get3A_451 : vector<1x16xf32> to vector<16xf32>
        %get3A_453 = arith.constant 5 : i32
        %get3A_454 = arith.index_cast %get3A_453 : i32 to index
        %get3A_455 = arith.index_cast %mul3A_382 : i32 to index
        %get3A_456 = tpu.vector_load %arg7[%get3A_454, %get3A_455] {strides = array<i32>} : memref<8x4096xf32, #tpu.memory_space<vmem>>, vector<1x16xf32>,
        %get3A_457 = vector.shape_cast %get3A_456 : vector<1x16xf32> to vector<16xf32>
        %mul3A_458 = arith.mulf %get3A_452, %get3A_457 : vector<16xf32>
        %add3A_459 = arith.addf %add3A_447, %mul3A_458 : vector<16xf32>
        %get3A_460 = arith.constant 6 : i32
        %get3A_461 = arith.index_cast %get3A_460 : i32 to index
        %get3A_462 = arith.index_cast %mul3A_382 : i32 to index
        %get3A_463 = tpu.vector_load %arg8[%get3A_461, %get3A_462] {strides = array<i32>} : memref<8x4096xf32, #tpu.memory_space<vmem>>, vector<1x16xf32>,
        %get3A_464 = vector.shape_cast %get3A_463 : vector<1x16xf32> to vector<16xf32>
        %get3A_465 = arith.constant 6 : i32
        %get3A_466 = arith.index_cast %get3A_465 : i32 to index
        %get3A_467 = arith.index_cast %mul3A_382 : i32 to index
        %get3A_468 = tpu.vector_load %arg7[%get3A_466, %get3A_467] {strides = array<i32>} : memref<8x4096xf32, #tpu.memory_space<vmem>>, vector<1x16xf32>,
        %get3A_469 = vector.shape_cast %get3A_468 : vector<1x16xf32> to vector<16xf32>
        %mul3A_470 = arith.mulf %get3A_464, %get3A_469 : vector<16xf32>
        %add3A_471 = arith.addf %add3A_459, %mul3A_470 : vector<16xf32>
        %get3A_472 = arith.constant 7 : i32
        %get3A_473 = arith.index_cast %get3A_472 : i32 to index
        %get3A_474 = arith.index_cast %mul3A_382 : i32 to index
        %get3A_475 = tpu.vector_load %arg8[%get3A_473, %get3A_474] {strides = array<i32>} : memref<8x4096xf32, #tpu.memory_space<vmem>>, vector<1x16xf32>,
        %get3A_476 = vector.shape_cast %get3A_475 : vector<1x16xf32> to vector<16xf32>
        %get3A_477 = arith.constant 7 : i32
        %get3A_478 = arith.index_cast %get3A_477 : i32 to index
        %get3A_479 = arith.index_cast %mul3A_382 : i32 to index
        %get3A_480 = tpu.vector_load %arg7[%get3A_478, %get3A_479] {strides = array<i32>} : memref<8x4096xf32, #tpu.memory_space<vmem>>, vector<1x16xf32>,
        %get3A_481 = vector.shape_cast %get3A_480 : vector<1x16xf32> to vector<16xf32>
        %mul3A_482 = arith.mulf %get3A_476, %get3A_481 : vector<16xf32>
        %add3A_483 = arith.addf %add3A_471, %mul3A_482 : vector<16xf32>
        %swap3A_484 = arith.constant 0 : i32
        %swap3A_485 = arith.index_cast %swap3A_484 : i32 to index
        %swap3A_486 = arith.index_cast %mul3A_382 : i32 to index
        %swap3A_487 = tpu.vector_load %arg10[%swap3A_485, %swap3A_486] {strides = array<i32>} : memref<1x4096xf32, #tpu.memory_space<vmem>>, vector<1x16xf32>,
        %swap3A_488 = vector.shape_cast %swap3A_487 : vector<1x16xf32> to vector<16xf32>
        %swap3A_489 = vector.shape_cast %add3A_483 : vector<16xf32> to vector<1x16xf32>
        tpu.vector_store %arg10[%swap3A_485, %swap3A_486], %swap3A_489 {strides = array<i32>} : memref<1x4096xf32, #tpu.memory_space<vmem>>, vector<1x16xf32>,
        %mul3A_490 = arith.constant 4 : i32
        %mul3A_491 = arith.muli %scan3A_151, %mul3A_490 : i32
        %add3A_492 = arith.constant 3 : i32
        %add3A_493 = arith.addi %mul3A_491, %add3A_492 : i32
        %mul3A_494 = arith.constant 16 : i32
        %mul3A_495 = arith.muli %add3A_493, %mul3A_494 : i32
        %get3A_496 = arith.constant 0 : i32
        %get3A_497 = arith.index_cast %get3A_496 : i32 to index
        %get3A_498 = arith.index_cast %mul3A_495 : i32 to index
        %get3A_499 = tpu.vector_load %arg10[%get3A_497, %get3A_498] {strides = array<i32>} : memref<1x4096xf32, #tpu.memory_space<vmem>>, vector<1x16xf32>,
        %get3A_500 = vector.shape_cast %get3A_499 : vector<1x16xf32> to vector<16xf32>
        %get3A_501 = arith.constant 0 : i32
        %get3A_502 = arith.index_cast %get3A_501 : i32 to index
        %get3A_503 = arith.index_cast %mul3A_495 : i32 to index
        %get3A_504 = tpu.vector_load %arg8[%get3A_502, %get3A_503] {strides = array<i32>} : memref<8x4096xf32, #tpu.memory_space<vmem>>, vector<1x16xf32>,
        %get3A_505 = vector.shape_cast %get3A_504 : vector<1x16xf32> to vector<16xf32>
        %get3A_506 = arith.constant 0 : i32
        %get3A_507 = arith.index_cast %get3A_506 : i32 to index
        %get3A_508 = arith.index_cast %mul3A_495 : i32 to index
        %get3A_509 = tpu.vector_load %arg7[%get3A_507, %get3A_508] {strides = array<i32>} : memref<8x4096xf32, #tpu.memory_space<vmem>>, vector<1x16xf32>,
        %get3A_510 = vector.shape_cast %get3A_509 : vector<1x16xf32> to vector<16xf32>
        %mul3A_511 = arith.mulf %get3A_505, %get3A_510 : vector<16xf32>
        %add3A_512 = arith.addf %get3A_500, %mul3A_511 : vector<16xf32>
        %get3A_513 = arith.constant 1 : i32
        %get3A_514 = arith.index_cast %get3A_513 : i32 to index
        %get3A_515 = arith.index_cast %mul3A_495 : i32 to index
        %get3A_516 = tpu.vector_load %arg8[%get3A_514, %get3A_515] {strides = array<i32>} : memref<8x4096xf32, #tpu.memory_space<vmem>>, vector<1x16xf32>,
        %get3A_517 = vector.shape_cast %get3A_516 : vector<1x16xf32> to vector<16xf32>
        %get3A_518 = arith.constant 1 : i32
        %get3A_519 = arith.index_cast %get3A_518 : i32 to index
        %get3A_520 = arith.index_cast %mul3A_495 : i32 to index
        %get3A_521 = tpu.vector_load %arg7[%get3A_519, %get3A_520] {strides = array<i32>} : memref<8x4096xf32, #tpu.memory_space<vmem>>, vector<1x16xf32>,
        %get3A_522 = vector.shape_cast %get3A_521 : vector<1x16xf32> to vector<16xf32>
        %mul3A_523 = arith.mulf %get3A_517, %get3A_522 : vector<16xf32>
        %add3A_524 = arith.addf %add3A_512, %mul3A_523 : vector<16xf32>
        %get3A_525 = arith.constant 2 : i32
        %get3A_526 = arith.index_cast %get3A_525 : i32 to index
        %get3A_527 = arith.index_cast %mul3A_495 : i32 to index
        %get3A_528 = tpu.vector_load %arg8[%get3A_526, %get3A_527] {strides = array<i32>} : memref<8x4096xf32, #tpu.memory_space<vmem>>, vector<1x16xf32>,
        %get3A_529 = vector.shape_cast %get3A_528 : vector<1x16xf32> to vector<16xf32>
        %get3A_530 = arith.constant 2 : i32
        %get3A_531 = arith.index_cast %get3A_530 : i32 to index
        %get3A_532 = arith.index_cast %mul3A_495 : i32 to index
        %get3A_533 = tpu.vector_load %arg7[%get3A_531, %get3A_532] {strides = array<i32>} : memref<8x4096xf32, #tpu.memory_space<vmem>>, vector<1x16xf32>,
        %get3A_534 = vector.shape_cast %get3A_533 : vector<1x16xf32> to vector<16xf32>
        %mul3A_535 = arith.mulf %get3A_529, %get3A_534 : vector<16xf32>
        %add3A_536 = arith.addf %add3A_524, %mul3A_535 : vector<16xf32>
        %get3A_537 = arith.constant 3 : i32
        %get3A_538 = arith.index_cast %get3A_537 : i32 to index
        %get3A_539 = arith.index_cast %mul3A_495 : i32 to index
        %get3A_540 = tpu.vector_load %arg8[%get3A_538, %get3A_539] {strides = array<i32>} : memref<8x4096xf32, #tpu.memory_space<vmem>>, vector<1x16xf32>,
        %get3A_541 = vector.shape_cast %get3A_540 : vector<1x16xf32> to vector<16xf32>
        %get3A_542 = arith.constant 3 : i32
        %get3A_543 = arith.index_cast %get3A_542 : i32 to index
        %get3A_544 = arith.index_cast %mul3A_495 : i32 to index
        %get3A_545 = tpu.vector_load %arg7[%get3A_543, %get3A_544] {strides = array<i32>} : memref<8x4096xf32, #tpu.memory_space<vmem>>, vector<1x16xf32>,
        %get3A_546 = vector.shape_cast %get3A_545 : vector<1x16xf32> to vector<16xf32>
        %mul3A_547 = arith.mulf %get3A_541, %get3A_546 : vector<16xf32>
        %add3A_548 = arith.addf %add3A_536, %mul3A_547 : vector<16xf32>
        %get3A_549 = arith.constant 4 : i32
        %get3A_550 = arith.index_cast %get3A_549 : i32 to index
        %get3A_551 = arith.index_cast %mul3A_495 : i32 to index
        %get3A_552 = tpu.vector_load %arg8[%get3A_550, %get3A_551] {strides = array<i32>} : memref<8x4096xf32, #tpu.memory_space<vmem>>, vector<1x16xf32>,
        %get3A_553 = vector.shape_cast %get3A_552 : vector<1x16xf32> to vector<16xf32>
        %get3A_554 = arith.constant 4 : i32
        %get3A_555 = arith.index_cast %get3A_554 : i32 to index
        %get3A_556 = arith.index_cast %mul3A_495 : i32 to index
        %get3A_557 = tpu.vector_load %arg7[%get3A_555, %get3A_556] {strides = array<i32>} : memref<8x4096xf32, #tpu.memory_space<vmem>>, vector<1x16xf32>,
        %get3A_558 = vector.shape_cast %get3A_557 : vector<1x16xf32> to vector<16xf32>
        %mul3A_559 = arith.mulf %get3A_553, %get3A_558 : vector<16xf32>
        %add3A_560 = arith.addf %add3A_548, %mul3A_559 : vector<16xf32>
        %get3A_561 = arith.constant 5 : i32
        %get3A_562 = arith.index_cast %get3A_561 : i32 to index
        %get3A_563 = arith.index_cast %mul3A_495 : i32 to index
        %get3A_564 = tpu.vector_load %arg8[%get3A_562, %get3A_563] {strides = array<i32>} : memref<8x4096xf32, #tpu.memory_space<vmem>>, vector<1x16xf32>,
        %get3A_565 = vector.shape_cast %get3A_564 : vector<1x16xf32> to vector<16xf32>
        %get3A_566 = arith.constant 5 : i32
        %get3A_567 = arith.index_cast %get3A_566 : i32 to index
        %get3A_568 = arith.index_cast %mul3A_495 : i32 to index
        %get3A_569 = tpu.vector_load %arg7[%get3A_567, %get3A_568] {strides = array<i32>} : memref<8x4096xf32, #tpu.memory_space<vmem>>, vector<1x16xf32>,
        %get3A_570 = vector.shape_cast %get3A_569 : vector<1x16xf32> to vector<16xf32>
        %mul3A_571 = arith.mulf %get3A_565, %get3A_570 : vector<16xf32>
        %add3A_572 = arith.addf %add3A_560, %mul3A_571 : vector<16xf32>
        %get3A_573 = arith.constant 6 : i32
        %get3A_574 = arith.index_cast %get3A_573 : i32 to index
        %get3A_575 = arith.index_cast %mul3A_495 : i32 to index
        %get3A_576 = tpu.vector_load %arg8[%get3A_574, %get3A_575] {strides = array<i32>} : memref<8x4096xf32, #tpu.memory_space<vmem>>, vector<1x16xf32>,
        %get3A_577 = vector.shape_cast %get3A_576 : vector<1x16xf32> to vector<16xf32>
        %get3A_578 = arith.constant 6 : i32
        %get3A_579 = arith.index_cast %get3A_578 : i32 to index
        %get3A_580 = arith.index_cast %mul3A_495 : i32 to index
        %get3A_581 = tpu.vector_load %arg7[%get3A_579, %get3A_580] {strides = array<i32>} : memref<8x4096xf32, #tpu.memory_space<vmem>>, vector<1x16xf32>,
        %get3A_582 = vector.shape_cast %get3A_581 : vector<1x16xf32> to vector<16xf32>
        %mul3A_583 = arith.mulf %get3A_577, %get3A_582 : vector<16xf32>
        %add3A_584 = arith.addf %add3A_572, %mul3A_583 : vector<16xf32>
        %get3A_585 = arith.constant 7 : i32
        %get3A_586 = arith.index_cast %get3A_585 : i32 to index
        %get3A_587 = arith.index_cast %mul3A_495 : i32 to index
        %get3A_588 = tpu.vector_load %arg8[%get3A_586, %get3A_587] {strides = array<i32>} : memref<8x4096xf32, #tpu.memory_space<vmem>>, vector<1x16xf32>,
        %get3A_589 = vector.shape_cast %get3A_588 : vector<1x16xf32> to vector<16xf32>
        %get3A_590 = arith.constant 7 : i32
        %get3A_591 = arith.index_cast %get3A_590 : i32 to index
        %get3A_592 = arith.index_cast %mul3A_495 : i32 to index
        %get3A_593 = tpu.vector_load %arg7[%get3A_591, %get3A_592] {strides = array<i32>} : memref<8x4096xf32, #tpu.memory_space<vmem>>, vector<1x16xf32>,
        %get3A_594 = vector.shape_cast %get3A_593 : vector<1x16xf32> to vector<16xf32>
        %mul3A_595 = arith.mulf %get3A_589, %get3A_594 : vector<16xf32>
        %add3A_596 = arith.addf %add3A_584, %mul3A_595 : vector<16xf32>
        %swap3A_597 = arith.constant 0 : i32
        %swap3A_598 = arith.index_cast %swap3A_597 : i32 to index
        %swap3A_599 = arith.index_cast %mul3A_495 : i32 to index
        %swap3A_600 = tpu.vector_load %arg10[%swap3A_598, %swap3A_599] {strides = array<i32>} : memref<1x4096xf32, #tpu.memory_space<vmem>>, vector<1x16xf32>,
        %swap3A_601 = vector.shape_cast %swap3A_600 : vector<1x16xf32> to vector<16xf32>
        %swap3A_602 = vector.shape_cast %add3A_596 : vector<16xf32> to vector<1x16xf32>
        tpu.vector_store %arg10[%swap3A_598, %swap3A_599], %swap3A_602 {strides = array<i32>} : memref<1x4096xf32, #tpu.memory_space<vmem>>, vector<1x16xf32>,
        %scan3A_603 = arith.constant 0 : i32
        scf.yield %scan3A_603 : i32
      }
      %scan3A_95 = arith.constant 64 : i32
      %mul3A_96 = arith.constant 2 : i32
      %mul3A_97 = arith.muli %mul3A_96, %scan3A_66 : i32
      %add3A_98 = arith.constant 1 : i32
      %add3A_99 = arith.addi %mul3A_97, %add3A_98 : i32
      %min3A_100 = arith.constant 3 : i32
      %min3A_101 = arith.minsi %add3A_99, %min3A_100 : i32
      %mul3A_102 = arith.constant 8 : i32
      %mul3A_103 = arith.muli %min3A_101, %mul3A_102 : i32
      %add3A_104 = arith.addi %mul3A_20, %mul3A_103 : i32
      %dma_start3A_105 = arith.constant 0 : i32
      %dma_start3A_106 = tpu.memref_slice %arg4[%add3A_104, %dma_start3A_105] : memref<256x4096xf32, #tpu.memory_space<hbm>> -> memref<8x4096xf32, #tpu.memory_space<hbm>>
      %dma_start3A_107 = arith.constant 0 : i32
      %dma_start3A_108 = tpu.memref_slice %arg4[%add3A_104, %dma_start3A_107] : memref<256x4096xf32, #tpu.memory_space<hbm>> -> memref<8x4096xf32, #tpu.memory_space<hbm>>
      tpu.enqueue_dma source(%dma_start3A_108 : memref<8x4096xf32, #tpu.memory_space<hbm>>) target(%arg7 : memref<8x4096xf32, #tpu.memory_space<vmem>>) target_semaphore(%arg11 : memref<!tpu.dma_semaphore, #tpu.memory_space<semaphore_mem>>)
      %mul3A_109 = arith.constant 2 : i32
      %mul3A_110 = arith.muli %mul3A_109, %scan3A_66 : i32
      %add3A_111 = arith.constant 2 : i32
      %add3A_112 = arith.addi %mul3A_110, %add3A_111 : i32
      %min3A_113 = arith.constant 3 : i32
      %min3A_114 = arith.minsi %add3A_112, %min3A_113 : i32
      %mul3A_115 = arith.constant 8 : i32
      %mul3A_116 = arith.muli %min3A_114, %mul3A_115 : i32
      %dma_start3A_117 = tpu.memref_slice %arg6[%mul3A_116] : memref<32xi32, #tpu.memory_space<vmem>> -> memref<8xi32, #tpu.memory_space<vmem>>
      %dma_start3A_118 = arith.constant 0 : i32
      %dma_start3A_119 = arith.constant 0 : i32
      %dma_start3A_120 = tpu.memref_slice %arg3[%dma_start3A_118, %dma_start3A_119] : memref<1000x4096xf32, #tpu.memory_space<hbm>> -> memref<1000x4096xf32, #tpu.memory_space<hbm>>
      tpu.enqueue_indirect_dma source(%dma_start3A_120 : memref<1000x4096xf32, #tpu.memory_space<hbm>>) target(%arg8 : memref<8x4096xf32, #tpu.memory_space<vmem>>) offsets(%dma_start3A_117 : memref<8xi32, #tpu.memory_space<vmem>>) semaphore(%arg12 : memref<!tpu.dma_semaphore, #tpu.memory_space<semaphore_mem>>)
      %dma_wait3A_121 = arith.constant 0 : i32
      %dma_wait3A_122 = tpu.memref_slice %arg4[%mul3A_20, %dma_wait3A_121] : memref<256x4096xf32, #tpu.memory_space<hbm>> -> memref<8x4096xf32, #tpu.memory_space<hbm>>
      %dma_wait3A_123 = arith.constant 0 : i32
      %dma_wait3A_124 = tpu.memref_slice %arg4[%mul3A_20, %dma_wait3A_123] : memref<256x4096xf32, #tpu.memory_space<hbm>> -> memref<8x4096xf32, #tpu.memory_space<hbm>>
      tpu.wait_dma2 semaphore(%arg11 : memref<!tpu.dma_semaphore, #tpu.memory_space<semaphore_mem>>) src(%dma_wait3A_124 : memref<8x4096xf32, #tpu.memory_space<hbm>>) dst(%arg7 : memref<8x4096xf32, #tpu.memory_space<vmem>>)
      %dma_wait3A_125 = arith.constant 0 : i32
      %dma_wait3A_126 = tpu.memref_slice %arg6[%dma_wait3A_125] : memref<32xi32, #tpu.memory_space<vmem>> -> memref<8xi32, #tpu.memory_space<vmem>>
      %dma_wait3A_127 = arith.constant 0 : i32
      %dma_wait3A_128 = arith.constant 0 : i32
      %dma_wait3A_129 = tpu.memref_slice %arg3[%dma_wait3A_127, %dma_wait3A_128] : memref<1000x4096xf32, #tpu.memory_space<hbm>> -> memref<1000x4096xf32, #tpu.memory_space<hbm>>
      tpu.wait_indirect_dma semaphore(%arg13 : memref<!tpu.dma_semaphore, #tpu.memory_space<semaphore_mem>>) src(%dma_wait3A_129 : memref<1000x4096xf32, #tpu.memory_space<hbm>>) dst(%arg9 : memref<8x4096xf32, #tpu.memory_space<vmem>>)
      %scan3A_130 = arith.constant 0 : i32
      %scan3A_131 = arith.constant 0 : i32
      %scan3A_132 = arith.constant 64 : i32
      %scan3A_133 = arith.addi %scan3A_131, %scan3A_132 : i32
      %scan3A_134 = arith.constant 1 : i32
      %scan3A_135 = scf.for %scan3A_151 = %scan3A_131 to %scan3A_133 step %scan3A_134 iter_args(%scan3A_152 = %scan3A_130) -> (i32)  : i32 {
        %mul3A_153 = arith.constant 4 : i32
        %mul3A_154 = arith.muli %scan3A_151, %mul3A_153 : i32
        %add3A_155 = arith.constant 0 : i32
        %add3A_156 = arith.addi %mul3A_154, %add3A_155 : i32
        %mul3A_157 = arith.constant 16 : i32
        %mul3A_158 = arith.muli %add3A_156, %mul3A_157 : i32
        %get3A = arith.constant 0 : i32
        %get3A_159 = arith.index_cast %get3A : i32 to index
        %get3A_160 = arith.index_cast %mul3A_158 : i32 to index
        %get3A_161 = tpu.vector_load %arg10[%get3A_159, %get3A_160] {strides = array<i32>} : memref<1x4096xf32, #tpu.memory_space<vmem>>, vector<1x16xf32>,
        %get3A_162 = vector.shape_cast %get3A_161 : vector<1x16xf32> to vector<16xf32>
        %get3A_163 = arith.constant 0 : i32
        %get3A_164 = arith.index_cast %get3A_163 : i32 to index
        %get3A_165 = arith.index_cast %mul3A_158 : i32 to index
        %get3A_166 = tpu.vector_load %arg9[%get3A_164, %get3A_165] {strides = array<i32>} : memref<8x4096xf32, #tpu.memory_space<vmem>>, vector<1x16xf32>,
        %get3A_167 = vector.shape_cast %get3A_166 : vector<1x16xf32> to vector<16xf32>
        %get3A_168 = arith.constant 0 : i32
        %get3A_169 = arith.index_cast %get3A_168 : i32 to index
        %get3A_170 = arith.index_cast %mul3A_158 : i32 to index
        %get3A_171 = tpu.vector_load %arg7[%get3A_169, %get3A_170] {strides = array<i32>} : memref<8x4096xf32, #tpu.memory_space<vmem>>, vector<1x16xf32>,
        %get3A_172 = vector.shape_cast %get3A_171 : vector<1x16xf32> to vector<16xf32>
        %mul3A_173 = arith.mulf %get3A_167, %get3A_172 : vector<16xf32>
        %add3A_174 = arith.addf %get3A_162, %mul3A_173 : vector<16xf32>
        %get3A_175 = arith.constant 1 : i32
        %get3A_176 = arith.index_cast %get3A_175 : i32 to index
        %get3A_177 = arith.index_cast %mul3A_158 : i32 to index
        %get3A_178 = tpu.vector_load %arg9[%get3A_176, %get3A_177] {strides = array<i32>} : memref<8x4096xf32, #tpu.memory_space<vmem>>, vector<1x16xf32>,
        %get3A_179 = vector.shape_cast %get3A_178 : vector<1x16xf32> to vector<16xf32>
        %get3A_180 = arith.constant 1 : i32
        %get3A_181 = arith.index_cast %get3A_180 : i32 to index
        %get3A_182 = arith.index_cast %mul3A_158 : i32 to index
        %get3A_183 = tpu.vector_load %arg7[%get3A_181, %get3A_182] {strides = array<i32>} : memref<8x4096xf32, #tpu.memory_space<vmem>>, vector<1x16xf32>,
        %get3A_184 = vector.shape_cast %get3A_183 : vector<1x16xf32> to vector<16xf32>
        %mul3A_185 = arith.mulf %get3A_179, %get3A_184 : vector<16xf32>
        %add3A_186 = arith.addf %add3A_174, %mul3A_185 : vector<16xf32>
        %get3A_187 = arith.constant 2 : i32
        %get3A_188 = arith.index_cast %get3A_187 : i32 to index
        %get3A_189 = arith.index_cast %mul3A_158 : i32 to index
        %get3A_190 = tpu.vector_load %arg9[%get3A_188, %get3A_189] {strides = array<i32>} : memref<8x4096xf32, #tpu.memory_space<vmem>>, vector<1x16xf32>,
        %get3A_191 = vector.shape_cast %get3A_190 : vector<1x16xf32> to vector<16xf32>
        %get3A_192 = arith.constant 2 : i32
        %get3A_193 = arith.index_cast %get3A_192 : i32 to index
        %get3A_194 = arith.index_cast %mul3A_158 : i32 to index
        %get3A_195 = tpu.vector_load %arg7[%get3A_193, %get3A_194] {strides = array<i32>} : memref<8x4096xf32, #tpu.memory_space<vmem>>, vector<1x16xf32>,
        %get3A_196 = vector.shape_cast %get3A_195 : vector<1x16xf32> to vector<16xf32>
        %mul3A_197 = arith.mulf %get3A_191, %get3A_196 : vector<16xf32>
        %add3A_198 = arith.addf %add3A_186, %mul3A_197 : vector<16xf32>
        %get3A_199 = arith.constant 3 : i32
        %get3A_200 = arith.index_cast %get3A_199 : i32 to index
        %get3A_201 = arith.index_cast %mul3A_158 : i32 to index
        %get3A_202 = tpu.vector_load %arg9[%get3A_200, %get3A_201] {strides = array<i32>} : memref<8x4096xf32, #tpu.memory_space<vmem>>, vector<1x16xf32>,
        %get3A_203 = vector.shape_cast %get3A_202 : vector<1x16xf32> to vector<16xf32>
        %get3A_204 = arith.constant 3 : i32
        %get3A_205 = arith.index_cast %get3A_204 : i32 to index
        %get3A_206 = arith.index_cast %mul3A_158 : i32 to index
        %get3A_207 = tpu.vector_load %arg7[%get3A_205, %get3A_206] {strides = array<i32>} : memref<8x4096xf32, #tpu.memory_space<vmem>>, vector<1x16xf32>,
        %get3A_208 = vector.shape_cast %get3A_207 : vector<1x16xf32> to vector<16xf32>
        %mul3A_209 = arith.mulf %get3A_203, %get3A_208 : vector<16xf32>
        %add3A_210 = arith.addf %add3A_198, %mul3A_209 : vector<16xf32>
        %get3A_211 = arith.constant 4 : i32
        %get3A_212 = arith.index_cast %get3A_211 : i32 to index
        %get3A_213 = arith.index_cast %mul3A_158 : i32 to index
        %get3A_214 = tpu.vector_load %arg9[%get3A_212, %get3A_213] {strides = array<i32>} : memref<8x4096xf32, #tpu.memory_space<vmem>>, vector<1x16xf32>,
        %get3A_215 = vector.shape_cast %get3A_214 : vector<1x16xf32> to vector<16xf32>
        %get3A_216 = arith.constant 4 : i32
        %get3A_217 = arith.index_cast %get3A_216 : i32 to index
        %get3A_218 = arith.index_cast %mul3A_158 : i32 to index
        %get3A_219 = tpu.vector_load %arg7[%get3A_217, %get3A_218] {strides = array<i32>} : memref<8x4096xf32, #tpu.memory_space<vmem>>, vector<1x16xf32>,
        %get3A_220 = vector.shape_cast %get3A_219 : vector<1x16xf32> to vector<16xf32>
        %mul3A_221 = arith.mulf %get3A_215, %get3A_220 : vector<16xf32>
        %add3A_222 = arith.addf %add3A_210, %mul3A_221 : vector<16xf32>
        %get3A_223 = arith.constant 5 : i32
        %get3A_224 = arith.index_cast %get3A_223 : i32 to index
        %get3A_225 = arith.index_cast %mul3A_158 : i32 to index
        %get3A_226 = tpu.vector_load %arg9[%get3A_224, %get3A_225] {strides = array<i32>} : memref<8x4096xf32, #tpu.memory_space<vmem>>, vector<1x16xf32>,
        %get3A_227 = vector.shape_cast %get3A_226 : vector<1x16xf32> to vector<16xf32>
        %get3A_228 = arith.constant 5 : i32
        %get3A_229 = arith.index_cast %get3A_228 : i32 to index
        %get3A_230 = arith.index_cast %mul3A_158 : i32 to index
        %get3A_231 = tpu.vector_load %arg7[%get3A_229, %get3A_230] {strides = array<i32>} : memref<8x4096xf32, #tpu.memory_space<vmem>>, vector<1x16xf32>,
        %get3A_232 = vector.shape_cast %get3A_231 : vector<1x16xf32> to vector<16xf32>
        %mul3A_233 = arith.mulf %get3A_227, %get3A_232 : vector<16xf32>
        %add3A_234 = arith.addf %add3A_222, %mul3A_233 : vector<16xf32>
        %get3A_235 = arith.constant 6 : i32
        %get3A_236 = arith.index_cast %get3A_235 : i32 to index
        %get3A_237 = arith.index_cast %mul3A_158 : i32 to index
        %get3A_238 = tpu.vector_load %arg9[%get3A_236, %get3A_237] {strides = array<i32>} : memref<8x4096xf32, #tpu.memory_space<vmem>>, vector<1x16xf32>,
        %get3A_239 = vector.shape_cast %get3A_238 : vector<1x16xf32> to vector<16xf32>
        %get3A_240 = arith.constant 6 : i32
        %get3A_241 = arith.index_cast %get3A_240 : i32 to index
        %get3A_242 = arith.index_cast %mul3A_158 : i32 to index
        %get3A_243 = tpu.vector_load %arg7[%get3A_241, %get3A_242] {strides = array<i32>} : memref<8x4096xf32, #tpu.memory_space<vmem>>, vector<1x16xf32>,
        %get3A_244 = vector.shape_cast %get3A_243 : vector<1x16xf32> to vector<16xf32>
        %mul3A_245 = arith.mulf %get3A_239, %get3A_244 : vector<16xf32>
        %add3A_246 = arith.addf %add3A_234, %mul3A_245 : vector<16xf32>
        %get3A_247 = arith.constant 7 : i32
        %get3A_248 = arith.index_cast %get3A_247 : i32 to index
        %get3A_249 = arith.index_cast %mul3A_158 : i32 to index
        %get3A_250 = tpu.vector_load %arg9[%get3A_248, %get3A_249] {strides = array<i32>} : memref<8x4096xf32, #tpu.memory_space<vmem>>, vector<1x16xf32>,
        %get3A_251 = vector.shape_cast %get3A_250 : vector<1x16xf32> to vector<16xf32>
        %get3A_252 = arith.constant 7 : i32
        %get3A_253 = arith.index_cast %get3A_252 : i32 to index
        %get3A_254 = arith.index_cast %mul3A_158 : i32 to index
        %get3A_255 = tpu.vector_load %arg7[%get3A_253, %get3A_254] {strides = array<i32>} : memref<8x4096xf32, #tpu.memory_space<vmem>>, vector<1x16xf32>,
        %get3A_256 = vector.shape_cast %get3A_255 : vector<1x16xf32> to vector<16xf32>
        %mul3A_257 = arith.mulf %get3A_251, %get3A_256 : vector<16xf32>
        %add3A_258 = arith.addf %add3A_246, %mul3A_257 : vector<16xf32>
        %swap3A = arith.constant 0 : i32
        %swap3A_259 = arith.index_cast %swap3A : i32 to index
        %swap3A_260 = arith.index_cast %mul3A_158 : i32 to index
        %swap3A_261 = tpu.vector_load %arg10[%swap3A_259, %swap3A_260] {strides = array<i32>} : memref<1x4096xf32, #tpu.memory_space<vmem>>, vector<1x16xf32>,
        %swap3A_262 = vector.shape_cast %swap3A_261 : vector<1x16xf32> to vector<16xf32>
        %swap3A_263 = vector.shape_cast %add3A_258 : vector<16xf32> to vector<1x16xf32>
        tpu.vector_store %arg10[%swap3A_259, %swap3A_260], %swap3A_263 {strides = array<i32>} : memref<1x4096xf32, #tpu.memory_space<vmem>>, vector<1x16xf32>,
        %mul3A_264 = arith.constant 4 : i32
        %mul3A_265 = arith.muli %scan3A_151, %mul3A_264 : i32
        %add3A_266 = arith.constant 1 : i32
        %add3A_267 = arith.addi %mul3A_265, %add3A_266 : i32
        %mul3A_268 = arith.constant 16 : i32
        %mul3A_269 = arith.muli %add3A_267, %mul3A_268 : i32
        %get3A_270 = arith.constant 0 : i32
        %get3A_271 = arith.index_cast %get3A_270 : i32 to index
        %get3A_272 = arith.index_cast %mul3A_269 : i32 to index
        %get3A_273 = tpu.vector_load %arg10[%get3A_271, %get3A_272] {strides = array<i32>} : memref<1x4096xf32, #tpu.memory_space<vmem>>, vector<1x16xf32>,
        %get3A_274 = vector.shape_cast %get3A_273 : vector<1x16xf32> to vector<16xf32>
        %get3A_275 = arith.constant 0 : i32
        %get3A_276 = arith.index_cast %get3A_275 : i32 to index
        %get3A_277 = arith.index_cast %mul3A_269 : i32 to index
        %get3A_278 = tpu.vector_load %arg9[%get3A_276, %get3A_277] {strides = array<i32>} : memref<8x4096xf32, #tpu.memory_space<vmem>>, vector<1x16xf32>,
        %get3A_279 = vector.shape_cast %get3A_278 : vector<1x16xf32> to vector<16xf32>
        %get3A_280 = arith.constant 0 : i32
        %get3A_281 = arith.index_cast %get3A_280 : i32 to index
        %get3A_282 = arith.index_cast %mul3A_269 : i32 to index
        %get3A_283 = tpu.vector_load %arg7[%get3A_281, %get3A_282] {strides = array<i32>} : memref<8x4096xf32, #tpu.memory_space<vmem>>, vector<1x16xf32>,
        %get3A_284 = vector.shape_cast %get3A_283 : vector<1x16xf32> to vector<16xf32>
        %mul3A_285 = arith.mulf %get3A_279, %get3A_284 : vector<16xf32>
        %add3A_286 = arith.addf %get3A_274, %mul3A_285 : vector<16xf32>
        %get3A_287 = arith.constant 1 : i32
        %get3A_288 = arith.index_cast %get3A_287 : i32 to index
        %get3A_289 = arith.index_cast %mul3A_269 : i32 to index
        %get3A_290 = tpu.vector_load %arg9[%get3A_288, %get3A_289] {strides = array<i32>} : memref<8x4096xf32, #tpu.memory_space<vmem>>, vector<1x16xf32>,
        %get3A_291 = vector.shape_cast %get3A_290 : vector<1x16xf32> to vector<16xf32>
        %get3A_292 = arith.constant 1 : i32
        %get3A_293 = arith.index_cast %get3A_292 : i32 to index
        %get3A_294 = arith.index_cast %mul3A_269 : i32 to index
        %get3A_295 = tpu.vector_load %arg7[%get3A_293, %get3A_294] {strides = array<i32>} : memref<8x4096xf32, #tpu.memory_space<vmem>>, vector<1x16xf32>,
        %get3A_296 = vector.shape_cast %get3A_295 : vector<1x16xf32> to vector<16xf32>
        %mul3A_297 = arith.mulf %get3A_291, %get3A_296 : vector<16xf32>
        %add3A_298 = arith.addf %add3A_286, %mul3A_297 : vector<16xf32>
        %get3A_299 = arith.constant 2 : i32
        %get3A_300 = arith.index_cast %get3A_299 : i32 to index
        %get3A_301 = arith.index_cast %mul3A_269 : i32 to index
        %get3A_302 = tpu.vector_load %arg9[%get3A_300, %get3A_301] {strides = array<i32>} : memref<8x4096xf32, #tpu.memory_space<vmem>>, vector<1x16xf32>,
        %get3A_303 = vector.shape_cast %get3A_302 : vector<1x16xf32> to vector<16xf32>
        %get3A_304 = arith.constant 2 : i32
        %get3A_305 = arith.index_cast %get3A_304 : i32 to index
        %get3A_306 = arith.index_cast %mul3A_269 : i32 to index
        %get3A_307 = tpu.vector_load %arg7[%get3A_305, %get3A_306] {strides = array<i32>} : memref<8x4096xf32, #tpu.memory_space<vmem>>, vector<1x16xf32>,
        %get3A_308 = vector.shape_cast %get3A_307 : vector<1x16xf32> to vector<16xf32>
        %mul3A_309 = arith.mulf %get3A_303, %get3A_308 : vector<16xf32>
        %add3A_310 = arith.addf %add3A_298, %mul3A_309 : vector<16xf32>
        %get3A_311 = arith.constant 3 : i32
        %get3A_312 = arith.index_cast %get3A_311 : i32 to index
        %get3A_313 = arith.index_cast %mul3A_269 : i32 to index
        %get3A_314 = tpu.vector_load %arg9[%get3A_312, %get3A_313] {strides = array<i32>} : memref<8x4096xf32, #tpu.memory_space<vmem>>, vector<1x16xf32>,
        %get3A_315 = vector.shape_cast %get3A_314 : vector<1x16xf32> to vector<16xf32>
        %get3A_316 = arith.constant 3 : i32
        %get3A_317 = arith.index_cast %get3A_316 : i32 to index
        %get3A_318 = arith.index_cast %mul3A_269 : i32 to index
        %get3A_319 = tpu.vector_load %arg7[%get3A_317, %get3A_318] {strides = array<i32>} : memref<8x4096xf32, #tpu.memory_space<vmem>>, vector<1x16xf32>,
        %get3A_320 = vector.shape_cast %get3A_319 : vector<1x16xf32> to vector<16xf32>
        %mul3A_321 = arith.mulf %get3A_315, %get3A_320 : vector<16xf32>
        %add3A_322 = arith.addf %add3A_310, %mul3A_321 : vector<16xf32>
        %get3A_323 = arith.constant 4 : i32
        %get3A_324 = arith.index_cast %get3A_323 : i32 to index
        %get3A_325 = arith.index_cast %mul3A_269 : i32 to index
        %get3A_326 = tpu.vector_load %arg9[%get3A_324, %get3A_325] {strides = array<i32>} : memref<8x4096xf32, #tpu.memory_space<vmem>>, vector<1x16xf32>,
        %get3A_327 = vector.shape_cast %get3A_326 : vector<1x16xf32> to vector<16xf32>
        %get3A_328 = arith.constant 4 : i32
        %get3A_329 = arith.index_cast %get3A_328 : i32 to index
        %get3A_330 = arith.index_cast %mul3A_269 : i32 to index
        %get3A_331 = tpu.vector_load %arg7[%get3A_329, %get3A_330] {strides = array<i32>} : memref<8x4096xf32, #tpu.memory_space<vmem>>, vector<1x16xf32>,
        %get3A_332 = vector.shape_cast %get3A_331 : vector<1x16xf32> to vector<16xf32>
        %mul3A_333 = arith.mulf %get3A_327, %get3A_332 : vector<16xf32>
        %add3A_334 = arith.addf %add3A_322, %mul3A_333 : vector<16xf32>
        %get3A_335 = arith.constant 5 : i32
        %get3A_336 = arith.index_cast %get3A_335 : i32 to index
        %get3A_337 = arith.index_cast %mul3A_269 : i32 to index
        %get3A_338 = tpu.vector_load %arg9[%get3A_336, %get3A_337] {strides = array<i32>} : memref<8x4096xf32, #tpu.memory_space<vmem>>, vector<1x16xf32>,
        %get3A_339 = vector.shape_cast %get3A_338 : vector<1x16xf32> to vector<16xf32>
        %get3A_340 = arith.constant 5 : i32
        %get3A_341 = arith.index_cast %get3A_340 : i32 to index
        %get3A_342 = arith.index_cast %mul3A_269 : i32 to index
        %get3A_343 = tpu.vector_load %arg7[%get3A_341, %get3A_342] {strides = array<i32>} : memref<8x4096xf32, #tpu.memory_space<vmem>>, vector<1x16xf32>,
        %get3A_344 = vector.shape_cast %get3A_343 : vector<1x16xf32> to vector<16xf32>
        %mul3A_345 = arith.mulf %get3A_339, %get3A_344 : vector<16xf32>
        %add3A_346 = arith.addf %add3A_334, %mul3A_345 : vector<16xf32>
        %get3A_347 = arith.constant 6 : i32
        %get3A_348 = arith.index_cast %get3A_347 : i32 to index
        %get3A_349 = arith.index_cast %mul3A_269 : i32 to index
        %get3A_350 = tpu.vector_load %arg9[%get3A_348, %get3A_349] {strides = array<i32>} : memref<8x4096xf32, #tpu.memory_space<vmem>>, vector<1x16xf32>,
        %get3A_351 = vector.shape_cast %get3A_350 : vector<1x16xf32> to vector<16xf32>
        %get3A_352 = arith.constant 6 : i32
        %get3A_353 = arith.index_cast %get3A_352 : i32 to index
        %get3A_354 = arith.index_cast %mul3A_269 : i32 to index
        %get3A_355 = tpu.vector_load %arg7[%get3A_353, %get3A_354] {strides = array<i32>} : memref<8x4096xf32, #tpu.memory_space<vmem>>, vector<1x16xf32>,
        %get3A_356 = vector.shape_cast %get3A_355 : vector<1x16xf32> to vector<16xf32>
        %mul3A_357 = arith.mulf %get3A_351, %get3A_356 : vector<16xf32>
        %add3A_358 = arith.addf %add3A_346, %mul3A_357 : vector<16xf32>
        %get3A_359 = arith.constant 7 : i32
        %get3A_360 = arith.index_cast %get3A_359 : i32 to index
        %get3A_361 = arith.index_cast %mul3A_269 : i32 to index
        %get3A_362 = tpu.vector_load %arg9[%get3A_360, %get3A_361] {strides = array<i32>} : memref<8x4096xf32, #tpu.memory_space<vmem>>, vector<1x16xf32>,
        %get3A_363 = vector.shape_cast %get3A_362 : vector<1x16xf32> to vector<16xf32>
        %get3A_364 = arith.constant 7 : i32
        %get3A_365 = arith.index_cast %get3A_364 : i32 to index
        %get3A_366 = arith.index_cast %mul3A_269 : i32 to index
        %get3A_367 = tpu.vector_load %arg7[%get3A_365, %get3A_366] {strides = array<i32>} : memref<8x4096xf32, #tpu.memory_space<vmem>>, vector<1x16xf32>,
        %get3A_368 = vector.shape_cast %get3A_367 : vector<1x16xf32> to vector<16xf32>
        %mul3A_369 = arith.mulf %get3A_363, %get3A_368 : vector<16xf32>
        %add3A_370 = arith.addf %add3A_358, %mul3A_369 : vector<16xf32>
        %swap3A_371 = arith.constant 0 : i32
        %swap3A_372 = arith.index_cast %swap3A_371 : i32 to index
        %swap3A_373 = arith.index_cast %mul3A_269 : i32 to index
        %swap3A_374 = tpu.vector_load %arg10[%swap3A_372, %swap3A_373] {strides = array<i32>} : memref<1x4096xf32, #tpu.memory_space<vmem>>, vector<1x16xf32>,
        %swap3A_375 = vector.shape_cast %swap3A_374 : vector<1x16xf32> to vector<16xf32>
        %swap3A_376 = vector.shape_cast %add3A_370 : vector<16xf32> to vector<1x16xf32>
        tpu.vector_store %arg10[%swap3A_372, %swap3A_373], %swap3A_376 {strides = array<i32>} : memref<1x4096xf32, #tpu.memory_space<vmem>>, vector<1x16xf32>,
        %mul3A_377 = arith.constant 4 : i32
        %mul3A_378 = arith.muli %scan3A_151, %mul3A_377 : i32
        %add3A_379 = arith.constant 2 : i32
        %add3A_380 = arith.addi %mul3A_378, %add3A_379 : i32
        %mul3A_381 = arith.constant 16 : i32
        %mul3A_382 = arith.muli %add3A_380, %mul3A_381 : i32
        %get3A_383 = arith.constant 0 : i32
        %get3A_384 = arith.index_cast %get3A_383 : i32 to index
        %get3A_385 = arith.index_cast %mul3A_382 : i32 to index
        %get3A_386 = tpu.vector_load %arg10[%get3A_384, %get3A_385] {strides = array<i32>} : memref<1x4096xf32, #tpu.memory_space<vmem>>, vector<1x16xf32>,
        %get3A_387 = vector.shape_cast %get3A_386 : vector<1x16xf32> to vector<16xf32>
        %get3A_388 = arith.constant 0 : i32
        %get3A_389 = arith.index_cast %get3A_388 : i32 to index
        %get3A_390 = arith.index_cast %mul3A_382 : i32 to index
        %get3A_391 = tpu.vector_load %arg9[%get3A_389, %get3A_390] {strides = array<i32>} : memref<8x4096xf32, #tpu.memory_space<vmem>>, vector<1x16xf32>,
        %get3A_392 = vector.shape_cast %get3A_391 : vector<1x16xf32> to vector<16xf32>
        %get3A_393 = arith.constant 0 : i32
        %get3A_394 = arith.index_cast %get3A_393 : i32 to index
        %get3A_395 = arith.index_cast %mul3A_382 : i32 to index
        %get3A_396 = tpu.vector_load %arg7[%get3A_394, %get3A_395] {strides = array<i32>} : memref<8x4096xf32, #tpu.memory_space<vmem>>, vector<1x16xf32>,
        %get3A_397 = vector.shape_cast %get3A_396 : vector<1x16xf32> to vector<16xf32>
        %mul3A_398 = arith.mulf %get3A_392, %get3A_397 : vector<16xf32>
        %add3A_399 = arith.addf %get3A_387, %mul3A_398 : vector<16xf32>
        %get3A_400 = arith.constant 1 : i32
        %get3A_401 = arith.index_cast %get3A_400 : i32 to index
        %get3A_402 = arith.index_cast %mul3A_382 : i32 to index
        %get3A_403 = tpu.vector_load %arg9[%get3A_401, %get3A_402] {strides = array<i32>} : memref<8x4096xf32, #tpu.memory_space<vmem>>, vector<1x16xf32>,
        %get3A_404 = vector.shape_cast %get3A_403 : vector<1x16xf32> to vector<16xf32>
        %get3A_405 = arith.constant 1 : i32
        %get3A_406 = arith.index_cast %get3A_405 : i32 to index
        %get3A_407 = arith.index_cast %mul3A_382 : i32 to index
        %get3A_408 = tpu.vector_load %arg7[%get3A_406, %get3A_407] {strides = array<i32>} : memref<8x4096xf32, #tpu.memory_space<vmem>>, vector<1x16xf32>,
        %get3A_409 = vector.shape_cast %get3A_408 : vector<1x16xf32> to vector<16xf32>
        %mul3A_410 = arith.mulf %get3A_404, %get3A_409 : vector<16xf32>
        %add3A_411 = arith.addf %add3A_399, %mul3A_410 : vector<16xf32>
        %get3A_412 = arith.constant 2 : i32
        %get3A_413 = arith.index_cast %get3A_412 : i32 to index
        %get3A_414 = arith.index_cast %mul3A_382 : i32 to index
        %get3A_415 = tpu.vector_load %arg9[%get3A_413, %get3A_414] {strides = array<i32>} : memref<8x4096xf32, #tpu.memory_space<vmem>>, vector<1x16xf32>,
        %get3A_416 = vector.shape_cast %get3A_415 : vector<1x16xf32> to vector<16xf32>
        %get3A_417 = arith.constant 2 : i32
        %get3A_418 = arith.index_cast %get3A_417 : i32 to index
        %get3A_419 = arith.index_cast %mul3A_382 : i32 to index
        %get3A_420 = tpu.vector_load %arg7[%get3A_418, %get3A_419] {strides = array<i32>} : memref<8x4096xf32, #tpu.memory_space<vmem>>, vector<1x16xf32>,
        %get3A_421 = vector.shape_cast %get3A_420 : vector<1x16xf32> to vector<16xf32>
        %mul3A_422 = arith.mulf %get3A_416, %get3A_421 : vector<16xf32>
        %add3A_423 = arith.addf %add3A_411, %mul3A_422 : vector<16xf32>
        %get3A_424 = arith.constant 3 : i32
        %get3A_425 = arith.index_cast %get3A_424 : i32 to index
        %get3A_426 = arith.index_cast %mul3A_382 : i32 to index
        %get3A_427 = tpu.vector_load %arg9[%get3A_425, %get3A_426] {strides = array<i32>} : memref<8x4096xf32, #tpu.memory_space<vmem>>, vector<1x16xf32>,
        %get3A_428 = vector.shape_cast %get3A_427 : vector<1x16xf32> to vector<16xf32>
        %get3A_429 = arith.constant 3 : i32
        %get3A_430 = arith.index_cast %get3A_429 : i32 to index
        %get3A_431 = arith.index_cast %mul3A_382 : i32 to index
        %get3A_432 = tpu.vector_load %arg7[%get3A_430, %get3A_431] {strides = array<i32>} : memref<8x4096xf32, #tpu.memory_space<vmem>>, vector<1x16xf32>,
        %get3A_433 = vector.shape_cast %get3A_432 : vector<1x16xf32> to vector<16xf32>
        %mul3A_434 = arith.mulf %get3A_428, %get3A_433 : vector<16xf32>
        %add3A_435 = arith.addf %add3A_423, %mul3A_434 : vector<16xf32>
        %get3A_436 = arith.constant 4 : i32
        %get3A_437 = arith.index_cast %get3A_436 : i32 to index
        %get3A_438 = arith.index_cast %mul3A_382 : i32 to index
        %get3A_439 = tpu.vector_load %arg9[%get3A_437, %get3A_438] {strides = array<i32>} : memref<8x4096xf32, #tpu.memory_space<vmem>>, vector<1x16xf32>,
        %get3A_440 = vector.shape_cast %get3A_439 : vector<1x16xf32> to vector<16xf32>
        %get3A_441 = arith.constant 4 : i32
        %get3A_442 = arith.index_cast %get3A_441 : i32 to index
        %get3A_443 = arith.index_cast %mul3A_382 : i32 to index
        %get3A_444 = tpu.vector_load %arg7[%get3A_442, %get3A_443] {strides = array<i32>} : memref<8x4096xf32, #tpu.memory_space<vmem>>, vector<1x16xf32>,
        %get3A_445 = vector.shape_cast %get3A_444 : vector<1x16xf32> to vector<16xf32>
        %mul3A_446 = arith.mulf %get3A_440, %get3A_445 : vector<16xf32>
        %add3A_447 = arith.addf %add3A_435, %mul3A_446 : vector<16xf32>
        %get3A_448 = arith.constant 5 : i32
        %get3A_449 = arith.index_cast %get3A_448 : i32 to index
        %get3A_450 = arith.index_cast %mul3A_382 : i32 to index
        %get3A_451 = tpu.vector_load %arg9[%get3A_449, %get3A_450] {strides = array<i32>} : memref<8x4096xf32, #tpu.memory_space<vmem>>, vector<1x16xf32>,
        %get3A_452 = vector.shape_cast %get3A_451 : vector<1x16xf32> to vector<16xf32>
        %get3A_453 = arith.constant 5 : i32
        %get3A_454 = arith.index_cast %get3A_453 : i32 to index
        %get3A_455 = arith.index_cast %mul3A_382 : i32 to index
        %get3A_456 = tpu.vector_load %arg7[%get3A_454, %get3A_455] {strides = array<i32>} : memref<8x4096xf32, #tpu.memory_space<vmem>>, vector<1x16xf32>,
        %get3A_457 = vector.shape_cast %get3A_456 : vector<1x16xf32> to vector<16xf32>
        %mul3A_458 = arith.mulf %get3A_452, %get3A_457 : vector<16xf32>
        %add3A_459 = arith.addf %add3A_447, %mul3A_458 : vector<16xf32>
        %get3A_460 = arith.constant 6 : i32
        %get3A_461 = arith.index_cast %get3A_460 : i32 to index
        %get3A_462 = arith.index_cast %mul3A_382 : i32 to index
        %get3A_463 = tpu.vector_load %arg9[%get3A_461, %get3A_462] {strides = array<i32>} : memref<8x4096xf32, #tpu.memory_space<vmem>>, vector<1x16xf32>,
        %get3A_464 = vector.shape_cast %get3A_463 : vector<1x16xf32> to vector<16xf32>
        %get3A_465 = arith.constant 6 : i32
        %get3A_466 = arith.index_cast %get3A_465 : i32 to index
        %get3A_467 = arith.index_cast %mul3A_382 : i32 to index
        %get3A_468 = tpu.vector_load %arg7[%get3A_466, %get3A_467] {strides = array<i32>} : memref<8x4096xf32, #tpu.memory_space<vmem>>, vector<1x16xf32>,
        %get3A_469 = vector.shape_cast %get3A_468 : vector<1x16xf32> to vector<16xf32>
        %mul3A_470 = arith.mulf %get3A_464, %get3A_469 : vector<16xf32>
        %add3A_471 = arith.addf %add3A_459, %mul3A_470 : vector<16xf32>
        %get3A_472 = arith.constant 7 : i32
        %get3A_473 = arith.index_cast %get3A_472 : i32 to index
        %get3A_474 = arith.index_cast %mul3A_382 : i32 to index
        %get3A_475 = tpu.vector_load %arg9[%get3A_473, %get3A_474] {strides = array<i32>} : memref<8x4096xf32, #tpu.memory_space<vmem>>, vector<1x16xf32>,
        %get3A_476 = vector.shape_cast %get3A_475 : vector<1x16xf32> to vector<16xf32>
        %get3A_477 = arith.constant 7 : i32
        %get3A_478 = arith.index_cast %get3A_477 : i32 to index
        %get3A_479 = arith.index_cast %mul3A_382 : i32 to index
        %get3A_480 = tpu.vector_load %arg7[%get3A_478, %get3A_479] {strides = array<i32>} : memref<8x4096xf32, #tpu.memory_space<vmem>>, vector<1x16xf32>,
        %get3A_481 = vector.shape_cast %get3A_480 : vector<1x16xf32> to vector<16xf32>
        %mul3A_482 = arith.mulf %get3A_476, %get3A_481 : vector<16xf32>
        %add3A_483 = arith.addf %add3A_471, %mul3A_482 : vector<16xf32>
        %swap3A_484 = arith.constant 0 : i32
        %swap3A_485 = arith.index_cast %swap3A_484 : i32 to index
        %swap3A_486 = arith.index_cast %mul3A_382 : i32 to index
        %swap3A_487 = tpu.vector_load %arg10[%swap3A_485, %swap3A_486] {strides = array<i32>} : memref<1x4096xf32, #tpu.memory_space<vmem>>, vector<1x16xf32>,
        %swap3A_488 = vector.shape_cast %swap3A_487 : vector<1x16xf32> to vector<16xf32>
        %swap3A_489 = vector.shape_cast %add3A_483 : vector<16xf32> to vector<1x16xf32>
        tpu.vector_store %arg10[%swap3A_485, %swap3A_486], %swap3A_489 {strides = array<i32>} : memref<1x4096xf32, #tpu.memory_space<vmem>>, vector<1x16xf32>,
        %mul3A_490 = arith.constant 4 : i32
        %mul3A_491 = arith.muli %scan3A_151, %mul3A_490 : i32
        %add3A_492 = arith.constant 3 : i32
        %add3A_493 = arith.addi %mul3A_491, %add3A_492 : i32
        %mul3A_494 = arith.constant 16 : i32
        %mul3A_495 = arith.muli %add3A_493, %mul3A_494 : i32
        %get3A_496 = arith.constant 0 : i32
        %get3A_497 = arith.index_cast %get3A_496 : i32 to index
        %get3A_498 = arith.index_cast %mul3A_495 : i32 to index
        %get3A_499 = tpu.vector_load %arg10[%get3A_497, %get3A_498] {strides = array<i32>} : memref<1x4096xf32, #tpu.memory_space<vmem>>, vector<1x16xf32>,
        %get3A_500 = vector.shape_cast %get3A_499 : vector<1x16xf32> to vector<16xf32>
        %get3A_501 = arith.constant 0 : i32
        %get3A_502 = arith.index_cast %get3A_501 : i32 to index
        %get3A_503 = arith.index_cast %mul3A_495 : i32 to index
        %get3A_504 = tpu.vector_load %arg9[%get3A_502, %get3A_503] {strides = array<i32>} : memref<8x4096xf32, #tpu.memory_space<vmem>>, vector<1x16xf32>,
        %get3A_505 = vector.shape_cast %get3A_504 : vector<1x16xf32> to vector<16xf32>
        %get3A_506 = arith.constant 0 : i32
        %get3A_507 = arith.index_cast %get3A_506 : i32 to index
        %get3A_508 = arith.index_cast %mul3A_495 : i32 to index
        %get3A_509 = tpu.vector_load %arg7[%get3A_507, %get3A_508] {strides = array<i32>} : memref<8x4096xf32, #tpu.memory_space<vmem>>, vector<1x16xf32>,
        %get3A_510 = vector.shape_cast %get3A_509 : vector<1x16xf32> to vector<16xf32>
        %mul3A_511 = arith.mulf %get3A_505, %get3A_510 : vector<16xf32>
        %add3A_512 = arith.addf %get3A_500, %mul3A_511 : vector<16xf32>
        %get3A_513 = arith.constant 1 : i32
        %get3A_514 = arith.index_cast %get3A_513 : i32 to index
        %get3A_515 = arith.index_cast %mul3A_495 : i32 to index
        %get3A_516 = tpu.vector_load %arg9[%get3A_514, %get3A_515] {strides = array<i32>} : memref<8x4096xf32, #tpu.memory_space<vmem>>, vector<1x16xf32>,
        %get3A_517 = vector.shape_cast %get3A_516 : vector<1x16xf32> to vector<16xf32>
        %get3A_518 = arith.constant 1 : i32
        %get3A_519 = arith.index_cast %get3A_518 : i32 to index
        %get3A_520 = arith.index_cast %mul3A_495 : i32 to index
        %get3A_521 = tpu.vector_load %arg7[%get3A_519, %get3A_520] {strides = array<i32>} : memref<8x4096xf32, #tpu.memory_space<vmem>>, vector<1x16xf32>,
        %get3A_522 = vector.shape_cast %get3A_521 : vector<1x16xf32> to vector<16xf32>
        %mul3A_523 = arith.mulf %get3A_517, %get3A_522 : vector<16xf32>
        %add3A_524 = arith.addf %add3A_512, %mul3A_523 : vector<16xf32>
        %get3A_525 = arith.constant 2 : i32
        %get3A_526 = arith.index_cast %get3A_525 : i32 to index
        %get3A_527 = arith.index_cast %mul3A_495 : i32 to index
        %get3A_528 = tpu.vector_load %arg9[%get3A_526, %get3A_527] {strides = array<i32>} : memref<8x4096xf32, #tpu.memory_space<vmem>>, vector<1x16xf32>,
        %get3A_529 = vector.shape_cast %get3A_528 : vector<1x16xf32> to vector<16xf32>
        %get3A_530 = arith.constant 2 : i32
        %get3A_531 = arith.index_cast %get3A_530 : i32 to index
        %get3A_532 = arith.index_cast %mul3A_495 : i32 to index
        %get3A_533 = tpu.vector_load %arg7[%get3A_531, %get3A_532] {strides = array<i32>} : memref<8x4096xf32, #tpu.memory_space<vmem>>, vector<1x16xf32>,
        %get3A_534 = vector.shape_cast %get3A_533 : vector<1x16xf32> to vector<16xf32>
        %mul3A_535 = arith.mulf %get3A_529, %get3A_534 : vector<16xf32>
        %add3A_536 = arith.addf %add3A_524, %mul3A_535 : vector<16xf32>
        %get3A_537 = arith.constant 3 : i32
        %get3A_538 = arith.index_cast %get3A_537 : i32 to index
        %get3A_539 = arith.index_cast %mul3A_495 : i32 to index
        %get3A_540 = tpu.vector_load %arg9[%get3A_538, %get3A_539] {strides = array<i32>} : memref<8x4096xf32, #tpu.memory_space<vmem>>, vector<1x16xf32>,
        %get3A_541 = vector.shape_cast %get3A_540 : vector<1x16xf32> to vector<16xf32>
        %get3A_542 = arith.constant 3 : i32
        %get3A_543 = arith.index_cast %get3A_542 : i32 to index
        %get3A_544 = arith.index_cast %mul3A_495 : i32 to index
        %get3A_545 = tpu.vector_load %arg7[%get3A_543, %get3A_544] {strides = array<i32>} : memref<8x4096xf32, #tpu.memory_space<vmem>>, vector<1x16xf32>,
        %get3A_546 = vector.shape_cast %get3A_545 : vector<1x16xf32> to vector<16xf32>
        %mul3A_547 = arith.mulf %get3A_541, %get3A_546 : vector<16xf32>
        %add3A_548 = arith.addf %add3A_536, %mul3A_547 : vector<16xf32>
        %get3A_549 = arith.constant 4 : i32
        %get3A_550 = arith.index_cast %get3A_549 : i32 to index
        %get3A_551 = arith.index_cast %mul3A_495 : i32 to index
        %get3A_552 = tpu.vector_load %arg9[%get3A_550, %get3A_551] {strides = array<i32>} : memref<8x4096xf32, #tpu.memory_space<vmem>>, vector<1x16xf32>,
        %get3A_553 = vector.shape_cast %get3A_552 : vector<1x16xf32> to vector<16xf32>
        %get3A_554 = arith.constant 4 : i32
        %get3A_555 = arith.index_cast %get3A_554 : i32 to index
        %get3A_556 = arith.index_cast %mul3A_495 : i32 to index
        %get3A_557 = tpu.vector_load %arg7[%get3A_555, %get3A_556] {strides = array<i32>} : memref<8x4096xf32, #tpu.memory_space<vmem>>, vector<1x16xf32>,
        %get3A_558 = vector.shape_cast %get3A_557 : vector<1x16xf32> to vector<16xf32>
        %mul3A_559 = arith.mulf %get3A_553, %get3A_558 : vector<16xf32>
        %add3A_560 = arith.addf %add3A_548, %mul3A_559 : vector<16xf32>
        %get3A_561 = arith.constant 5 : i32
        %get3A_562 = arith.index_cast %get3A_561 : i32 to index
        %get3A_563 = arith.index_cast %mul3A_495 : i32 to index
        %get3A_564 = tpu.vector_load %arg9[%get3A_562, %get3A_563] {strides = array<i32>} : memref<8x4096xf32, #tpu.memory_space<vmem>>, vector<1x16xf32>,
        %get3A_565 = vector.shape_cast %get3A_564 : vector<1x16xf32> to vector<16xf32>
        %get3A_566 = arith.constant 5 : i32
        %get3A_567 = arith.index_cast %get3A_566 : i32 to index
        %get3A_568 = arith.index_cast %mul3A_495 : i32 to index
        %get3A_569 = tpu.vector_load %arg7[%get3A_567, %get3A_568] {strides = array<i32>} : memref<8x4096xf32, #tpu.memory_space<vmem>>, vector<1x16xf32>,
        %get3A_570 = vector.shape_cast %get3A_569 : vector<1x16xf32> to vector<16xf32>
        %mul3A_571 = arith.mulf %get3A_565, %get3A_570 : vector<16xf32>
        %add3A_572 = arith.addf %add3A_560, %mul3A_571 : vector<16xf32>
        %get3A_573 = arith.constant 6 : i32
        %get3A_574 = arith.index_cast %get3A_573 : i32 to index
        %get3A_575 = arith.index_cast %mul3A_495 : i32 to index
        %get3A_576 = tpu.vector_load %arg9[%get3A_574, %get3A_575] {strides = array<i32>} : memref<8x4096xf32, #tpu.memory_space<vmem>>, vector<1x16xf32>,
        %get3A_577 = vector.shape_cast %get3A_576 : vector<1x16xf32> to vector<16xf32>
        %get3A_578 = arith.constant 6 : i32
        %get3A_579 = arith.index_cast %get3A_578 : i32 to index
        %get3A_580 = arith.index_cast %mul3A_495 : i32 to index
        %get3A_581 = tpu.vector_load %arg7[%get3A_579, %get3A_580] {strides = array<i32>} : memref<8x4096xf32, #tpu.memory_space<vmem>>, vector<1x16xf32>,
        %get3A_582 = vector.shape_cast %get3A_581 : vector<1x16xf32> to vector<16xf32>
        %mul3A_583 = arith.mulf %get3A_577, %get3A_582 : vector<16xf32>
        %add3A_584 = arith.addf %add3A_572, %mul3A_583 : vector<16xf32>
        %get3A_585 = arith.constant 7 : i32
        %get3A_586 = arith.index_cast %get3A_585 : i32 to index
        %get3A_587 = arith.index_cast %mul3A_495 : i32 to index
        %get3A_588 = tpu.vector_load %arg9[%get3A_586, %get3A_587] {strides = array<i32>} : memref<8x4096xf32, #tpu.memory_space<vmem>>, vector<1x16xf32>,
        %get3A_589 = vector.shape_cast %get3A_588 : vector<1x16xf32> to vector<16xf32>
        %get3A_590 = arith.constant 7 : i32
        %get3A_591 = arith.index_cast %get3A_590 : i32 to index
        %get3A_592 = arith.index_cast %mul3A_495 : i32 to index
        %get3A_593 = tpu.vector_load %arg7[%get3A_591, %get3A_592] {strides = array<i32>} : memref<8x4096xf32, #tpu.memory_space<vmem>>, vector<1x16xf32>,
        %get3A_594 = vector.shape_cast %get3A_593 : vector<1x16xf32> to vector<16xf32>
        %mul3A_595 = arith.mulf %get3A_589, %get3A_594 : vector<16xf32>
        %add3A_596 = arith.addf %add3A_584, %mul3A_595 : vector<16xf32>
        %swap3A_597 = arith.constant 0 : i32
        %swap3A_598 = arith.index_cast %swap3A_597 : i32 to index
        %swap3A_599 = arith.index_cast %mul3A_495 : i32 to index
        %swap3A_600 = tpu.vector_load %arg10[%swap3A_598, %swap3A_599] {strides = array<i32>} : memref<1x4096xf32, #tpu.memory_space<vmem>>, vector<1x16xf32>,
        %swap3A_601 = vector.shape_cast %swap3A_600 : vector<1x16xf32> to vector<16xf32>
        %swap3A_602 = vector.shape_cast %add3A_596 : vector<16xf32> to vector<1x16xf32>
        tpu.vector_store %arg10[%swap3A_598, %swap3A_599], %swap3A_602 {strides = array<i32>} : memref<1x4096xf32, #tpu.memory_space<vmem>>, vector<1x16xf32>,
        %scan3A_603 = arith.constant 0 : i32
        scf.yield %scan3A_603 : i32
      }
      %scan3A_136 = arith.constant 64 : i32
      %mul3A_137 = arith.constant 2 : i32
      %mul3A_138 = arith.muli %mul3A_137, %scan3A_66 : i32
      %add3A_139 = arith.constant 2 : i32
      %add3A_140 = arith.addi %mul3A_138, %add3A_139 : i32
      %min3A_141 = arith.constant 3 : i32
      %min3A_142 = arith.minsi %add3A_140, %min3A_141 : i32
      %mul3A_143 = arith.constant 8 : i32
      %mul3A_144 = arith.muli %min3A_142, %mul3A_143 : i32
      %add3A_145 = arith.addi %mul3A_20, %mul3A_144 : i32
      %dma_start3A_146 = arith.constant 0 : i32
      %dma_start3A_147 = tpu.memref_slice %arg4[%add3A_145, %dma_start3A_146] : memref<256x4096xf32, #tpu.memory_space<hbm>> -> memref<8x4096xf32, #tpu.memory_space<hbm>>
      %dma_start3A_148 = arith.constant 0 : i32
      %dma_start3A_149 = tpu.memref_slice %arg4[%add3A_145, %dma_start3A_148] : memref<256x4096xf32, #tpu.memory_space<hbm>> -> memref<8x4096xf32, #tpu.memory_space<hbm>>
      tpu.enqueue_dma source(%dma_start3A_149 : memref<8x4096xf32, #tpu.memory_space<hbm>>) target(%arg7 : memref<8x4096xf32, #tpu.memory_space<vmem>>) target_semaphore(%arg11 : memref<!tpu.dma_semaphore, #tpu.memory_space<semaphore_mem>>)
      %scan3A_150 = arith.constant 0 : i32
      scf.yield %scan3A_150 : i32
    }
    %scan3A_54 = arith.constant 2 : i32
    %dma_wait3A = arith.constant 0 : i32
    %dma_wait3A_55 = tpu.memref_slice %arg4[%mul3A_20, %dma_wait3A] : memref<256x4096xf32, #tpu.memory_space<hbm>> -> memref<8x4096xf32, #tpu.memory_space<hbm>>
    %dma_wait3A_56 = arith.constant 0 : i32
    %dma_wait3A_57 = tpu.memref_slice %arg4[%mul3A_20, %dma_wait3A_56] : memref<256x4096xf32, #tpu.memory_space<hbm>> -> memref<8x4096xf32, #tpu.memory_space<hbm>>
    tpu.wait_dma2 semaphore(%arg11 : memref<!tpu.dma_semaphore, #tpu.memory_space<semaphore_mem>>) src(%dma_wait3A_57 : memref<8x4096xf32, #tpu.memory_space<hbm>>) dst(%arg7 : memref<8x4096xf32, #tpu.memory_space<vmem>>)
    %dma_wait3A_58 = arith.constant 0 : i32
    %dma_wait3A_59 = tpu.memref_slice %arg6[%dma_wait3A_58] : memref<32xi32, #tpu.memory_space<vmem>> -> memref<8xi32, #tpu.memory_space<vmem>>
    %dma_wait3A_60 = arith.constant 0 : i32
    %dma_wait3A_61 = arith.constant 0 : i32
    %dma_wait3A_62 = tpu.memref_slice %arg3[%dma_wait3A_60, %dma_wait3A_61] : memref<1000x4096xf32, #tpu.memory_space<hbm>> -> memref<1000x4096xf32, #tpu.memory_space<hbm>>
    tpu.wait_indirect_dma semaphore(%arg12 : memref<!tpu.dma_semaphore, #tpu.memory_space<semaphore_mem>>) src(%dma_wait3A_62 : memref<1000x4096xf32, #tpu.memory_space<hbm>>) dst(%arg8 : memref<8x4096xf32, #tpu.memory_space<vmem>>)
    %mul3A_63 = arith.constant 8 : i32
    %mul3A_64 = arith.muli %rem3A_1, %mul3A_63 : i32
    %add3A_65 = arith.addi %mul3A_64, %select_n3A : i32
    "tpu.region"() ({
      %run_scoped3A = tpu.sem_alloc : memref<!tpu.dma_semaphore, #tpu.memory_space<semaphore_mem>>
      %dma_start3A_66 = arith.constant 0 : i32
      %dma_start3A_67 = arith.constant 0 : i32
      %dma_start3A_68 = tpu.memref_slice %arg10[%dma_start3A_66, %dma_start3A_67] : memref<1x4096xf32, #tpu.memory_space<vmem>> -> memref<1x4096xf32, #tpu.memory_space<vmem>>
      %dma_start3A_69 = arith.constant 0 : i32
      %dma_start3A_70 = tpu.memref_slice %arg5[%add3A_65, %dma_start3A_69] : memref<32x4096xf32, #tpu.memory_space<hbm>> -> memref<1x4096xf32, #tpu.memory_space<hbm>>
      %dma_start3A_71 = arith.constant 0 : i32
      %dma_start3A_72 = tpu.memref_slice %arg5[%add3A_65, %dma_start3A_71] : memref<32x4096xf32, #tpu.memory_space<hbm>> -> memref<1x4096xf32, #tpu.memory_space<hbm>>
      %dma_start3A_73 = arith.constant 0 : i32
      %dma_start3A_74 = arith.constant 0 : i32
      %dma_start3A_75 = tpu.memref_slice %arg10[%dma_start3A_73, %dma_start3A_74] : memref<1x4096xf32, #tpu.memory_space<vmem>> -> memref<1x4096xf32, #tpu.memory_space<vmem>>
      tpu.enqueue_dma source(%dma_start3A_75 : memref<1x4096xf32, #tpu.memory_space<vmem>>) target(%dma_start3A_72 : memref<1x4096xf32, #tpu.memory_space<hbm>>) target_semaphore(%run_scoped3A : memref<!tpu.dma_semaphore, #tpu.memory_space<semaphore_mem>>)
      %dma_wait3A_76 = arith.constant 0 : i32
      %dma_wait3A_77 = arith.constant 0 : i32
      %dma_wait3A_78 = tpu.memref_slice %arg10[%dma_wait3A_76, %dma_wait3A_77] : memref<1x4096xf32, #tpu.memory_space<vmem>> -> memref<1x4096xf32, #tpu.memory_space<vmem>>
      %dma_wait3A_79 = arith.constant 0 : i32
      %dma_wait3A_80 = tpu.memref_slice %arg5[%add3A_65, %dma_wait3A_79] : memref<32x4096xf32, #tpu.memory_space<hbm>> -> memref<1x4096xf32, #tpu.memory_space<hbm>>
      %dma_wait3A_81 = arith.constant 0 : i32
      %dma_wait3A_82 = tpu.memref_slice %arg5[%add3A_65, %dma_wait3A_81] : memref<32x4096xf32, #tpu.memory_space<hbm>> -> memref<1x4096xf32, #tpu.memory_space<hbm>>
      %dma_wait3A_83 = arith.constant 0 : i32
      %dma_wait3A_84 = arith.constant 0 : i32
      %dma_wait3A_85 = tpu.memref_slice %arg10[%dma_wait3A_83, %dma_wait3A_84] : memref<1x4096xf32, #tpu.memory_space<vmem>> -> memref<1x4096xf32, #tpu.memory_space<vmem>>
      tpu.wait_dma2 semaphore(%run_scoped3A : memref<!tpu.dma_semaphore, #tpu.memory_space<semaphore_mem>>) src(%dma_wait3A_85 : memref<1x4096xf32, #tpu.memory_space<vmem>>) dst(%dma_wait3A_82 : memref<1x4096xf32, #tpu.memory_space<hbm>>)
      tpu.yield
    }) : () -> ()
    return
  }
}

module attributes {stable_mosaic.version = 14 : i64} {
  func.func @_idx_body(%arg0: memref<4x256xf32, #tpu.memory_space<vmem>>, %arg1: memref<4x256xi32, #tpu.memory_space<vmem>>) attributes {dimension_semantics = [], scalar_prefetch = 0 : i64, scratch_operands = 0 : i64, tpu.core_type = #tpu.core_type<tc>} {
    %get3A = arith.constant 0 : index
    %get3A_0 = arith.constant 0 : index
    %get3A_1 = vector.load %arg0[%get3A, %get3A_0] : memref<4x256xf32, #tpu.memory_space<vmem>>, vector<4x256xf32>
    %sub3A = arith.constant -5.300000e+04 : f32
    %sub3A_2 = vector.broadcast %sub3A : f32 to vector<4x256xf32>
    %sub3A_3 = arith.subf %get3A_1, %sub3A_2 : vector<4x256xf32>
    %div3A = arith.constant 1.050000e+05 : f32
    %div3A_4 = vector.broadcast %div3A : f32 to vector<4x256xf32>
    %div3A_5 = arith.divf %sub3A_3, %div3A_4 : vector<4x256xf32>
    %mul3A = arith.constant 9.990000e+02 : f32
    %mul3A_6 = vector.broadcast %mul3A : f32 to vector<4x256xf32>
    %mul3A_7 = arith.mulf %div3A_5, %mul3A_6 : vector<4x256xf32>
    %round3A = math.roundeven %mul3A_7 : vector<4x256xf32>
    %jit3A = arith.constant 0 : i32
    %jit3A_8 = arith.constant 999 : i32
    %convert_element_type3A = arith.sitofp %jit3A : i32 to f32
    %max3A = vector.broadcast %convert_element_type3A : f32 to vector<4x256xf32>
    %max3A_9 = arith.maximumf %max3A, %round3A : vector<4x256xf32>
    %convert_element_type3A_10 = arith.sitofp %jit3A_8 : i32 to f32
    %min3A = vector.broadcast %convert_element_type3A_10 : f32 to vector<4x256xf32>
    %min3A_11 = arith.minimumf %min3A, %max3A_9 : vector<4x256xf32>
    %convert_element_type3A_12 = arith.fptosi %min3A_11 : vector<4x256xf32> to vector<4x256xi32>
    %swap3A = arith.constant 0 : index
    %swap3A_13 = arith.constant 0 : index
    %swap3A_14 = vector.load %arg1[%swap3A, %swap3A_13] : memref<4x256xi32, #tpu.memory_space<vmem>>, vector<4x256xi32>
    tpu.vector_store %arg1[%swap3A, %swap3A_13], %convert_element_type3A_12 {strides = array<i32>} : memref<4x256xi32, #tpu.memory_space<vmem>>, vector<4x256xi32>,
    return
  }
}

module attributes {stable_mosaic.version = 14 : i64} {
  func.func @_tc_body(%arg0: i32, %arg1: memref<1x128x2xf32, #tpu.memory_space<vmem>>, %arg2: memref<1000x4096xf32, #tpu.memory_space<vmem>>, %arg3: memref<128x2x4096xf32, #tpu.memory_space<vmem>>, %arg4: memref<1x1x4096xf32, #tpu.memory_space<vmem>>, %arg5: memref<1000x4096xbf16, #tpu.memory_space<vmem>>, %arg6: memref<128x4096xf32, #tpu.memory_space<vmem>>, %arg7: memref<128x4096xf32, #tpu.memory_space<vmem>>) attributes {dimension_semantics = [#tpu.dimension_semantics<arbitrary>], iteration_bounds = array<i64: 20>, scalar_prefetch = 0 : i64, scratch_operands = 3 : i64, tpu.core_type = #tpu.core_type<tc>, window_params = [{transform_indices = @transform_0, window_bounds = array<i64: 1, 128, 2>}, {pipeline_mode = #tpu.pipeline_mode<synchronous>, transform_indices = @transform_1, window_bounds = array<i64: 1000, 4096>}, {pipeline_mode = #tpu.pipeline_mode<synchronous>, transform_indices = @transform_2, window_bounds = array<i64: 128, 2, 4096>}, {transform_indices = @transform_3, window_bounds = array<i64: 1, 1, 4096>}]} {
    %eq3A = arith.constant 0 : i32
    %eq3A_0 = arith.cmpi eq, %arg0, %eq3A : i32
    %convert_element_type3A = arith.extui %eq3A_0 : i1 to i32
    %cond3A = arith.constant 0 : i32
    %cond3A_1 = arith.cmpi ne, %convert_element_type3A, %cond3A : i32
    scf.if %cond3A_1 {
      %get3A_88 = arith.constant 0 : index
      %get3A_89 = arith.constant 0 : index
      %get3A_90 = vector.load %arg2[%get3A_88, %get3A_89] : memref<1000x4096xf32, #tpu.memory_space<vmem>>, vector<1000x4096xf32>
      %convert_element_type3A_91 = arith.truncf %get3A_90 : vector<1000x4096xf32> to vector<1000x4096xbf16>
      %swap3A_92 = arith.constant 0 : index
      %swap3A_93 = arith.constant 0 : index
      %swap3A_94 = vector.load %arg5[%swap3A_92, %swap3A_93] : memref<1000x4096xbf16, #tpu.memory_space<vmem>>, vector<1000x4096xbf16>
      tpu.vector_store %arg5[%swap3A_92, %swap3A_93], %convert_element_type3A_91 {strides = array<i32>} : memref<1000x4096xbf16, #tpu.memory_space<vmem>>, vector<1000x4096xbf16>,
      %get3A_95 = arith.constant 0 : index
      %get3A_96 = arith.constant 1 : index
      %get3A_97 = arith.constant 0 : index
      %get3A_98 = vector.load %arg3[%get3A_95, %get3A_96, %get3A_97] : memref<128x2x4096xf32, #tpu.memory_space<vmem>>, vector<128x1x4096xf32>
      %get3A_99 = vector.shape_cast %get3A_98 : vector<128x1x4096xf32> to vector<128x4096xf32>
      %mul3A_100 = arith.constant 1.280000e+02 : f32
      %mul3A_101 = vector.broadcast %mul3A_100 : f32 to vector<128x4096xf32>
      %mul3A_102 = arith.mulf %get3A_99, %mul3A_101 : vector<128x4096xf32>
      %swap3A_103 = arith.constant 0 : index
      %swap3A_104 = arith.constant 0 : index
      %swap3A_105 = vector.load %arg7[%swap3A_103, %swap3A_104] : memref<128x4096xf32, #tpu.memory_space<vmem>>, vector<128x4096xf32>
      tpu.vector_store %arg7[%swap3A_103, %swap3A_104], %mul3A_102 {strides = array<i32>} : memref<128x4096xf32, #tpu.memory_space<vmem>>, vector<128x4096xf32>,
      %get3A_106 = arith.constant 0 : index
      %get3A_107 = arith.constant 0 : index
      %get3A_108 = arith.constant 0 : index
      %get3A_109 = vector.load %arg3[%get3A_106, %get3A_107, %get3A_108] : memref<128x2x4096xf32, #tpu.memory_space<vmem>>, vector<128x1x4096xf32>
      %get3A_110 = vector.shape_cast %get3A_109 : vector<128x1x4096xf32> to vector<128x4096xf32>
      %sub3A_111 = arith.subf %get3A_110, %mul3A_102 : vector<128x4096xf32>
      %swap3A_112 = arith.constant 0 : index
      %swap3A_113 = arith.constant 0 : index
      %swap3A_114 = vector.load %arg6[%swap3A_112, %swap3A_113] : memref<128x4096xf32, #tpu.memory_space<vmem>>, vector<128x4096xf32>
      tpu.vector_store %arg6[%swap3A_112, %swap3A_113], %sub3A_111 {strides = array<i32>} : memref<128x4096xf32, #tpu.memory_space<vmem>>, vector<128x4096xf32>,
    } else {
    }
    %get3A = arith.constant 0 : index
    %get3A_2 = arith.constant 0 : index
    %get3A_3 = arith.constant 0 : index
    %get3A_4 = vector.load %arg1[%get3A, %get3A_2, %get3A_3] : memref<1x128x2xf32, #tpu.memory_space<vmem>>, vector<1x128x1xf32>
    %get3A_5 = vector.shape_cast %get3A_4 : vector<1x128x1xf32> to vector<128x1xf32>
    %sub3A = arith.constant -5.300000e+04 : f32
    %sub3A_6 = vector.broadcast %sub3A : f32 to vector<128x1xf32>
    %sub3A_7 = arith.subf %get3A_5, %sub3A_6 : vector<128x1xf32>
    %div3A = arith.constant 1.050000e+05 : f32
    %div3A_8 = vector.broadcast %div3A : f32 to vector<128x1xf32>
    %div3A_9 = arith.divf %sub3A_7, %div3A_8 : vector<128x1xf32>
    %mul3A = arith.constant 9.990000e+02 : f32
    %mul3A_10 = vector.broadcast %mul3A : f32 to vector<128x1xf32>
    %mul3A_11 = arith.mulf %div3A_9, %mul3A_10 : vector<128x1xf32>
    %round3A = math.roundeven %mul3A_11 : vector<128x1xf32>
    %jit3A = arith.constant 0 : i32
    %jit3A_12 = arith.constant 999 : i32
    %convert_element_type3A_13 = arith.sitofp %jit3A : i32 to f32
    %max3A = vector.broadcast %convert_element_type3A_13 : f32 to vector<128x1xf32>
    %max3A_14 = arith.maximumf %max3A, %round3A : vector<128x1xf32>
    %convert_element_type3A_15 = arith.sitofp %jit3A_12 : i32 to f32
    %min3A = vector.broadcast %convert_element_type3A_15 : f32 to vector<128x1xf32>
    %min3A_16 = arith.minimumf %min3A, %max3A_14 : vector<128x1xf32>
    %convert_element_type3A_17 = arith.fptosi %min3A_16 : vector<128x1xf32> to vector<128x1xi32>
    %get3A_18 = arith.constant 0 : index
    %get3A_19 = arith.constant 0 : index
    %get3A_20 = arith.constant 1 : index
    %get3A_21 = vector.load %arg1[%get3A_18, %get3A_19, %get3A_20] : memref<1x128x2xf32, #tpu.memory_space<vmem>>, vector<1x128x1xf32>
    %get3A_22 = vector.shape_cast %get3A_21 : vector<1x128x1xf32> to vector<128x1xf32>
    %sub3A_23 = arith.constant -5.300000e+04 : f32
    %sub3A_24 = vector.broadcast %sub3A_23 : f32 to vector<128x1xf32>
    %sub3A_25 = arith.subf %get3A_22, %sub3A_24 : vector<128x1xf32>
    %div3A_26 = arith.constant 1.050000e+05 : f32
    %div3A_27 = vector.broadcast %div3A_26 : f32 to vector<128x1xf32>
    %div3A_28 = arith.divf %sub3A_25, %div3A_27 : vector<128x1xf32>
    %mul3A_29 = arith.constant 9.990000e+02 : f32
    %mul3A_30 = vector.broadcast %mul3A_29 : f32 to vector<128x1xf32>
    %mul3A_31 = arith.mulf %div3A_28, %mul3A_30 : vector<128x1xf32>
    %round3A_32 = math.roundeven %mul3A_31 : vector<128x1xf32>
    %jit3A_33 = arith.constant 0 : i32
    %jit3A_34 = arith.constant 999 : i32
    %convert_element_type3A_35 = arith.sitofp %jit3A_33 : i32 to f32
    %max3A_36 = vector.broadcast %convert_element_type3A_35 : f32 to vector<128x1xf32>
    %max3A_37 = arith.maximumf %max3A_36, %round3A_32 : vector<128x1xf32>
    %convert_element_type3A_38 = arith.sitofp %jit3A_34 : i32 to f32
    %min3A_39 = vector.broadcast %convert_element_type3A_38 : f32 to vector<128x1xf32>
    %min3A_40 = arith.minimumf %min3A_39, %max3A_37 : vector<128x1xf32>
    %convert_element_type3A_41 = arith.fptosi %min3A_40 : vector<128x1xf32> to vector<128x1xi32>
    %iota3A = tpu.iota {dimensions = array<i32: 1>} : vector<128x1000xi32>
    %eq3A_42 = vector.broadcast %convert_element_type3A_17 : vector<128x1xi32> to vector<128x1000xi32>
    %eq3A_43 = arith.cmpi eq, %eq3A_42, %iota3A : vector<128x1000xi32>
    %convert_element_type3A_44 = arith.extui %eq3A_43 : vector<128x1000xi1> to vector<128x1000xi32>
    %convert_element_type3A_45 = arith.sitofp %convert_element_type3A_44 : vector<128x1000xi32> to vector<128x1000xf32>
    %convert_element_type3A_46 = arith.truncf %convert_element_type3A_45 : vector<128x1000xf32> to vector<128x1000xbf16>
    %eq3A_47 = vector.broadcast %convert_element_type3A_41 : vector<128x1xi32> to vector<128x1000xi32>
    %eq3A_48 = arith.cmpi eq, %eq3A_47, %iota3A : vector<128x1000xi32>
    %convert_element_type3A_49 = arith.extui %eq3A_48 : vector<128x1000xi1> to vector<128x1000xi32>
    %convert_element_type3A_50 = arith.sitofp %convert_element_type3A_49 : vector<128x1000xi32> to vector<128x1000xf32>
    %convert_element_type3A_51 = arith.truncf %convert_element_type3A_50 : vector<128x1000xf32> to vector<128x1000xbf16>
    %mul3A_52 = arith.constant 7.812500e-03 : bf16
    %mul3A_53 = vector.broadcast %mul3A_52 : bf16 to vector<128x1000xbf16>
    %mul3A_54 = arith.mulf %convert_element_type3A_51, %mul3A_53 : vector<128x1000xbf16>
    %add3A = arith.addf %convert_element_type3A_46, %mul3A_54 : vector<128x1000xbf16>
    %get3A_55 = arith.constant 0 : index
    %get3A_56 = arith.constant 0 : index
    %get3A_57 = vector.load %arg5[%get3A_55, %get3A_56] : memref<1000x4096xbf16, #tpu.memory_space<vmem>>, vector<1000x4096xbf16>
    %dot_general3A = arith.constant dense<0.000000e+00> : vector<128x4096xf32>
    %dot_general3A_58 = tpu.matmul %add3A, %get3A_57, %dot_general3A {dimension_numbers = #tpu.dot_dimension_numbers<[1], [0], [0], [1], [0, 0, 1, 1], [], []>, transpose_lhs_hint = false} : vector<128x1000xbf16>, vector<1000x4096xbf16>, vector<128x4096xf32> -> vector<128x4096xf32>
    %gt3A = arith.constant 0.000000e+00 : f32
    %gt3A_59 = vector.broadcast %gt3A : f32 to vector<128x4096xf32>
    %gt3A_60 = arith.cmpf ogt, %dot_general3A_58, %gt3A_59 : vector<128x4096xf32>
    %get3A_61 = arith.constant 0 : index
    %get3A_62 = arith.constant 0 : index
    %get3A_63 = vector.load %arg6[%get3A_61, %get3A_62] : memref<128x4096xf32, #tpu.memory_space<vmem>>, vector<128x4096xf32>
    %get3A_64 = arith.constant 0 : index
    %get3A_65 = arith.constant 0 : index
    %get3A_66 = vector.load %arg6[%get3A_64, %get3A_65] : memref<128x4096xf32, #tpu.memory_space<vmem>>, vector<128x4096xf32>
    %neg3A = arith.constant 0.000000e+00 : f32
    %neg3A_67 = vector.broadcast %neg3A : f32 to vector<128x4096xf32>
    %neg3A_68 = arith.subf %neg3A_67, %get3A_66 : vector<128x4096xf32>
    %select_n3A = arith.select %gt3A_60, %get3A_63, %neg3A_68 : vector<128x4096xi1>, vector<128x4096xf32>
    %get3A_69 = arith.constant 0 : index
    %get3A_70 = arith.constant 0 : index
    %get3A_71 = vector.load %arg7[%get3A_69, %get3A_70] : memref<128x4096xf32, #tpu.memory_space<vmem>>, vector<128x4096xf32>
    %mul3A_72 = arith.mulf %dot_general3A_58, %get3A_71 : vector<128x4096xf32>
    %add3A_73 = arith.addf %select_n3A, %mul3A_72 : vector<128x4096xf32>
    %reduce_sum3A = arith.constant dense<0.000000e+00> : vector<4096xf32>
    %reduce_sum3A_74 = vector.multi_reduction <add>, %add3A_73, %reduce_sum3A [0] : vector<128x4096xf32> to vector<4096xf32>
    %broadcast_in_dim3A = vector.shape_cast %reduce_sum3A_74 : vector<4096xf32> to vector<1x4096xf32>
    %gt3A_75 = arith.constant 0.000000e+00 : f32
    %gt3A_76 = vector.broadcast %gt3A_75 : f32 to vector<1x4096xf32>
    %gt3A_77 = arith.cmpf ogt, %broadcast_in_dim3A, %gt3A_76 : vector<1x4096xf32>
    %jit3A_78 = arith.constant 1.000000e+00 : f32
    %jit3A_79 = arith.constant -1.000000e+00 : f32
    %broadcast_in_dim3A_80 = vector.broadcast %jit3A_78 : f32 to vector<1x4096xf32>
    %broadcast_in_dim3A_81 = vector.broadcast %jit3A_79 : f32 to vector<1x4096xf32>
    %select_n3A_82 = arith.select %gt3A_77, %broadcast_in_dim3A_80, %broadcast_in_dim3A_81 : vector<1x4096xi1>, vector<1x4096xf32>
    %swap3A = arith.constant 0 : index
    %swap3A_83 = arith.constant 0 : index
    %swap3A_84 = arith.constant 0 : index
    %swap3A_85 = vector.load %arg4[%swap3A, %swap3A_83, %swap3A_84] : memref<1x1x4096xf32, #tpu.memory_space<vmem>>, vector<1x1x4096xf32>
    %swap3A_86 = vector.shape_cast %swap3A_85 : vector<1x1x4096xf32> to vector<1x4096xf32>
    %swap3A_87 = vector.shape_cast %select_n3A_82 : vector<1x4096xf32> to vector<1x1x4096xf32>
    tpu.vector_store %arg4[%swap3A, %swap3A_83, %swap3A_84], %swap3A_87 {strides = array<i32>} : memref<1x1x4096xf32, #tpu.memory_space<vmem>>, vector<1x1x4096xf32>,
    return
  }
  func.func @transform_0(%arg0: i32) -> (i32, i32, i32) {
    %c0_i32 = arith.constant 0 : i32
    %c0_i32_0 = arith.constant 0 : i32
    %c0_i32_1 = arith.constant 0 : i32
    return %arg0, %c0_i32, %c0_i32_0 : i32, i32, i32
  }
  func.func @transform_1(%arg0: i32) -> (i32, i32) {
    %c0_i32 = arith.constant 0 : i32
    %c0_i32_0 = arith.constant 0 : i32
    %c0_i32_1 = arith.constant 0 : i32
    return %c0_i32, %c0_i32_0 : i32, i32
  }
  func.func @transform_2(%arg0: i32) -> (i32, i32, i32) {
    %c0_i32 = arith.constant 0 : i32
    %c0_i32_0 = arith.constant 0 : i32
    %c0_i32_1 = arith.constant 0 : i32
    %c0_i32_2 = arith.constant 0 : i32
    return %c0_i32, %c0_i32_0, %c0_i32_1 : i32, i32, i32
  }
  func.func @transform_3(%arg0: i32) -> (i32, i32, i32) {
    %c0_i32 = arith.constant 0 : i32
    %c0_i32_0 = arith.constant 0 : i32
    %c0_i32_1 = arith.constant 0 : i32
    return %arg0, %c0_i32, %c0_i32_0 : i32, i32, i32
  }
}

module attributes {stable_mosaic.version = 14 : i64} {
  func.func @_fin_body(%arg0: memref<4x8x4096xf32, #tpu.memory_space<vmem>>, %arg1: memref<20x4096xf32, #tpu.memory_space<vmem>>, %arg2: memref<1x4096xf32, #tpu.memory_space<vmem>>) attributes {dimension_semantics = [], scalar_prefetch = 0 : i64, scratch_operands = 0 : i64, tpu.core_type = #tpu.core_type<tc>} {
    %get3A = arith.constant 0 : index
    %get3A_0 = arith.constant 0 : index
    %get3A_1 = arith.constant 0 : index
    %get3A_2 = vector.load %arg0[%get3A, %get3A_0, %get3A_1] : memref<4x8x4096xf32, #tpu.memory_space<vmem>>, vector<4x8x4096xf32>
    %reduce_sum3A = arith.constant dense<0.000000e+00> : vector<4x4096xf32>
    %reduce_sum3A_3 = vector.multi_reduction <add>, %get3A_2, %reduce_sum3A [1] : vector<4x8x4096xf32> to vector<4x4096xf32>
    %gt3A = arith.constant 0.000000e+00 : f32
    %gt3A_4 = vector.broadcast %gt3A : f32 to vector<4x4096xf32>
    %gt3A_5 = arith.cmpf ogt, %reduce_sum3A_3, %gt3A_4 : vector<4x4096xf32>
    %jit3A = arith.constant 1.000000e+00 : f32
    %jit3A_6 = arith.constant -1.000000e+00 : f32
    %broadcast_in_dim3A = vector.broadcast %jit3A : f32 to vector<4x4096xf32>
    %broadcast_in_dim3A_7 = vector.broadcast %jit3A_6 : f32 to vector<4x4096xf32>
    %select_n3A = arith.select %gt3A_5, %broadcast_in_dim3A, %broadcast_in_dim3A_7 : vector<4x4096xi1>, vector<4x4096xf32>
    %get3A_8 = arith.constant 0 : index
    %get3A_9 = arith.constant 0 : index
    %get3A_10 = vector.load %arg1[%get3A_8, %get3A_9] : memref<20x4096xf32, #tpu.memory_space<vmem>>, vector<20x4096xf32>
    %concatenate3A = tpu.concatenate %select_n3A, %get3A_10 in 0 : vector<4x4096xf32>, vector<20x4096xf32> -> vector<24x4096xf32>
    %slice3A = vector.extract_strided_slice %concatenate3A {offsets = [0, 4093], sizes = [24, 3], strides = [1, 1]} : vector<24x4096xf32> to vector<24x3xf32>
    %slice3A_11 = vector.extract_strided_slice %concatenate3A {offsets = [0, 0], sizes = [24, 4093], strides = [1, 1]} : vector<24x4096xf32> to vector<24x4093xf32>
    %concatenate3A_12 = tpu.concatenate %slice3A, %slice3A_11 in 1 : vector<24x3xf32>, vector<24x4093xf32> -> vector<24x4096xf32>
    %slice3A_13 = vector.extract_strided_slice %concatenate3A {offsets = [0, 4094], sizes = [24, 2], strides = [1, 1]} : vector<24x4096xf32> to vector<24x2xf32>
    %slice3A_14 = vector.extract_strided_slice %concatenate3A {offsets = [0, 0], sizes = [24, 4094], strides = [1, 1]} : vector<24x4096xf32> to vector<24x4094xf32>
    %concatenate3A_15 = tpu.concatenate %slice3A_13, %slice3A_14 in 1 : vector<24x2xf32>, vector<24x4094xf32> -> vector<24x4096xf32>
    %slice3A_16 = vector.extract_strided_slice %concatenate3A {offsets = [0, 4095], sizes = [24, 1], strides = [1, 1]} : vector<24x4096xf32> to vector<24x1xf32>
    %slice3A_17 = vector.extract_strided_slice %concatenate3A {offsets = [0, 0], sizes = [24, 4095], strides = [1, 1]} : vector<24x4096xf32> to vector<24x4095xf32>
    %concatenate3A_18 = tpu.concatenate %slice3A_16, %slice3A_17 in 1 : vector<24x1xf32>, vector<24x4095xf32> -> vector<24x4096xf32>
    %slice3A_19 = vector.extract_strided_slice %concatenate3A_12 {offsets = [0, 0], sizes = [21, 4096], strides = [1, 1]} : vector<24x4096xf32> to vector<21x4096xf32>
    %slice3A_20 = vector.extract_strided_slice %concatenate3A_15 {offsets = [1, 0], sizes = [21, 4096], strides = [1, 1]} : vector<24x4096xf32> to vector<21x4096xf32>
    %mul3A = arith.mulf %slice3A_19, %slice3A_20 : vector<21x4096xf32>
    %slice3A_21 = vector.extract_strided_slice %concatenate3A_18 {offsets = [2, 0], sizes = [21, 4096], strides = [1, 1]} : vector<24x4096xf32> to vector<21x4096xf32>
    %slice3A_22 = vector.extract_strided_slice %concatenate3A {offsets = [3, 0], sizes = [21, 4096], strides = [1, 1]} : vector<24x4096xf32> to vector<21x4096xf32>
    %mul3A_23 = arith.mulf %slice3A_21, %slice3A_22 : vector<21x4096xf32>
    %mul3A_24 = arith.mulf %mul3A, %mul3A_23 : vector<21x4096xf32>
    %reduce_sum3A_25 = arith.constant dense<0.000000e+00> : vector<4096xf32>
    %reduce_sum3A_26 = vector.multi_reduction <add>, %mul3A_24, %reduce_sum3A_25 [0] : vector<21x4096xf32> to vector<4096xf32>
    %broadcast_in_dim3A_27 = vector.shape_cast %reduce_sum3A_26 : vector<4096xf32> to vector<1x4096xf32>
    %gt3A_28 = arith.constant 0.000000e+00 : f32
    %gt3A_29 = vector.broadcast %gt3A_28 : f32 to vector<1x4096xf32>
    %gt3A_30 = arith.cmpf ogt, %broadcast_in_dim3A_27, %gt3A_29 : vector<1x4096xf32>
    %jit3A_31 = arith.constant 1.000000e+00 : f32
    %jit3A_32 = arith.constant -1.000000e+00 : f32
    %broadcast_in_dim3A_33 = vector.broadcast %jit3A_31 : f32 to vector<1x4096xf32>
    %broadcast_in_dim3A_34 = vector.broadcast %jit3A_32 : f32 to vector<1x4096xf32>
    %select_n3A_35 = arith.select %gt3A_30, %broadcast_in_dim3A_33, %broadcast_in_dim3A_34 : vector<1x4096xi1>, vector<1x4096xf32>
    %swap3A = arith.constant 0 : index
    %swap3A_36 = arith.constant 0 : index
    %swap3A_37 = vector.load %arg2[%swap3A, %swap3A_36] : memref<1x4096xf32, #tpu.memory_space<vmem>>, vector<1x4096xf32>
    tpu.vector_store %arg2[%swap3A, %swap3A_36], %select_n3A_35 {strides = array<i32>} : memref<1x4096xf32, #tpu.memory_space<vmem>>, vector<1x4096xf32>,
    return
  }
}

</mosaic_0001>

<sc_bundles>
// kernel: kernel.6.cloned.1.call-start
scs
__scs_entry_jumppad:
0x0: {  	(pc) =	sbr.rel $0x88, $3  }
0x1: {  	(tag) =	ssettag $0x0;
	lr =	simm.s32 $0x1  }
0x2: {  	[smem:$0x3F9E] =	sst lr;
	_ =	strace $0xD0000000  }
0x3: {  	_ = 	snop  }
0x4: {  	_ = 	snop  }
0x5: {  	_ = 	snop  }
0x6: {  	_ = 	snop  }
0x7: {  	_ = 	snop  }
__scs_overlays_trampoline_lowered:
0x8: {  	[smem:$0x3FAD] =	sst s0  }
0x9: {  	[smem:$0x3FAE] =	sst s1  }
0xa: {  	[smem:$0x3FAF] =	sst s2  }
0xb: {  	[smem:$0x3FB0] =	sst s3  }
0xc: {  	[smem:$0x3FB1] =	sst s4  }
0xd: {  	[smem:$0x3FB2] =	sst s5  }
0xe: {  	[smem:$0x3FB3] =	sst s6  }
0xf: {  	[smem:$0x3FB4] =	sst s7  }
0x10: {  	[smem:$0x3FB5] =	sst s8  }
0x11: {  	[smem:$0x3FB6] =	sst s9;
	s0 =	simm.s32 @!p0 $0x0  }
0x12: {  	s1 =	sld [smem:$0x3F9C];
	s0 =	simm.s32 @p0 $0x1  }
0x13: {  	[smem:$0x3FB7] =	sst s0;
	s0 =	simm.s32 @!p1 $0x0  }
0x14: {  	s2 =	sld [smem:$0x3F9B];
	s0 =	simm.s32 @p1 $0x1  }
0x15: {  	[smem:$0x3FB8] =	sst s0;
	s0 =	simm.s32 @!p2 $0x0  }
0x16: {  	s3 =	sld [smem:$0x3FDB];
	s0 =	simm.s32 @p2 $0x1  }
0x17: {  	s4 =	simm.s32 $0x1BF5;
	[smem:$0x3FBA] =	sst s0  }
0x18: {  	s0 =	sld [smem:$0x3F9D];
	_ =	swait.ge [sflag:s4], $0x0  }
0x19: {  	s7 =	sld [smem:$0x3F9E]  }
0x1a: {  	s8 =	sadd.s32 $0xFFFFE003, lr  }
0x1b: {  	s9 =	sadd.s32 $0xFFFFFEF7, lr;
	s5 =	simm.s32 $0xFFFFFFFF;
	p2 =	slt.u32 s8, $0xFFFFF086  }
0x1c: {  	p1 =	slt.u32 s9, $0xF7A;
	s5 =	simm.s32 @!p2 $0x0  }
0x1d: {  	s5 =	simm.s32 @p1 $0x1;
	p0 =	seq.s32 s7, s2  }
0x1e: {  	s7 =	smul.u32 @!p0 $0xF7A, s2;
	p2 =	seq.s32 @!p0 s5, $0x0  }
0x1f: {  	s9 =	smul.u32 $0xF7A, s1;
	s8 =	simm.s32 @!p0 $0x1BF5;
	p2 =	por !p2, p0  }
0x20: {  	[sflag:s8] =	ssyncset.s32 @!p0 $0xFFFFF086;
	s6 =	sadd.s32 @!p0 s3, s7;
	s7 =	simm.s32 @!p0 $0x108  }
0x21: {  	s3 =	sadd.s32 s3, s9;
	s6 =	sadd.s32 @!p0 $0x88, s6;
	s7 =	simm.s32 @p2 $0x1082  }
0x22: {  	[simem:s7], [sflag:s8] =	dma.local @!p0 [hbm:s6], $0xF7A  }
0x23: {  	s9 =	sor.u32 $0xD0000000, s2;
	s6 =	simm.s32 $0x108;
	_ =	swait.ge @!p0 [sflag:s8], $0x0  }
0x24: {  	s3 =	sadd.s32 $0x88, s3;
	s6 =	simm.s32 @!p1 $0x1082;
	[sflag:s4] =	ssyncset.s32 $0xFFFFF086  }
0x25: {  	[simem:s6], [sflag:s4] =	dma.local [hbm:s3], $0xF7A  }
0x26: {  	[smem:$0x3F9E] =	sst s1;
	(tag) =	ssettag s2;
	_ =	strace s9  }
0x27: {  	s1 =	sld [smem:$0x3FAE]  }
0x28: {  	s2 =	sld [smem:$0x3FAF]  }
0x29: {  	s4 =	sld [smem:$0x3FB1]  }
0x2a: {  	p0 =	seq.s32 s5, $0x0;
	s5 =	sld [smem:$0x3FB2]  }
0x2b: {  	s6 =	sld [smem:$0x3FB3]  }
0x2c: {  	s7 =	sld [smem:$0x3FB4]  }
0x2d: {  	s3 =	simm.s32 $0x108;
	s8 =	sld [smem:$0x3FB5]  }
0x2e: {  	s3 =	simm.s32 @!p0 $0x1082;
	s9 =	sld [smem:$0x3FB6]  }
0x2f: {  	lr =	sadd.s32 s0, s3;
	s0 =	sld [smem:$0x3FAD]  }
0x30: {  	s3 =	sld [smem:$0x3FB0]  }
0x31: {  	[smem:$0x3FB9] =	sst s10  }
0x32: {  	s10 =	sld [smem:$0x3FB7];
	_ =	sdelay $0x3  }
0x33: {  	p0 =	seq.s32 s10, $0x1;
	s10 =	sld [smem:$0x3FB9];
	_ =	sdelay $0x3  }
0x34: {  	[smem:$0x3FB9] =	sst s10  }
0x35: {  	s10 =	sld [smem:$0x3FB8];
	_ =	sdelay $0x3  }
0x36: {  	p1 =	seq.s32 s10, $0x1;
	s10 =	sld [smem:$0x3FB9];
	_ =	sdelay $0x3  }
0x37: {  	[smem:$0x3FB9] =	sst s10  }
0x38: {  	s10 =	sld [smem:$0x3FBA]  }
0x39: {  	_ = 	snop;
	(pc) =	sbr.ind lr, $3  }
0x3a: {  	_ = 	snop  }
0x3b: {  	_ = 	snop  }
0x3c: {  	p2 =	seq.s32 s10, $0x1;
	s10 =	sld [smem:$0x3FB9]  }
0x3d: {  	_ =	shalt  }
0x3e: {  	_ =	shalt  }
0x3f: {  	_ =	shalt  }
0x40: {  	_ =	shalt  }
0x41: {  	_ =	shalt  }
0x42: {  	_ =	shalt  }
0x43: {  	_ =	shalt  }
0x44: {  	_ =	shalt  }
0x45: {  	_ =	shalt  }
0x46: {  	_ =	shalt  }
0x47: {  	_ =	shalt  }
0x48: {  	_ =	shalt  }
0x49: {  	_ =	shalt  }
0x4a: {  	_ =	shalt  }
0x4b: {  	_ =	shalt  }
0x4c: {  	_ =	shalt  }
0x4d: {  	_ =	shalt  }
0x4e: {  	_ =	shalt  }
0x4f: {  	_ =	shalt  }
0x50: {  	_ =	shalt  }
0x51: {  	_ =	shalt  }
0x52: {  	_ =	shalt  }
0x53: {  	_ =	shalt  }
0x54: {  	_ =	shalt  }
0x55: {  	_ =	shalt  }
0x56: {  	_ =	shalt  }
0x57: {  	_ =	shalt  }
0x58: {  	_ =	shalt  }
0x59: {  	_ =	shalt  }
0x5a: {  	_ =	shalt  }
0x5b: {  	_ =	shalt  }
0x5c: {  	_ =	shalt  }
0x5d: {  	_ =	shalt  }
0x5e: {  	_ =	shalt  }
0x5f: {  	_ =	shalt  }
0x60: {  	_ =	shalt  }
0x61: {  	_ =	shalt  }
0x62: {  	_ =	shalt  }
0x63: {  	_ =	shalt  }
0x64: {  	_ =	shalt  }
0x65: {  	_ =	shalt  }
0x66: {  	_ =	shalt  }
0x67: {  	_ =	shalt  }
0x68: {  	_ =	shalt  }
0x69: {  	_ =	shalt  }
0x6a: {  	_ =	shalt  }
0x6b: {  	_ =	shalt  }
0x6c: {  	_ =	shalt  }
0x6d: {  	_ =	shalt  }
0x6e: {  	_ =	shalt  }
0x6f: {  	_ =	shalt  }
0x70: {  	_ =	shalt  }
0x71: {  	_ =	shalt  }
0x72: {  	_ =	shalt  }
0x73: {  	_ =	shalt  }
0x74: {  	_ =	shalt  }
0x75: {  	_ =	shalt  }
0x76: {  	_ =	shalt  }
0x77: {  	_ =	shalt  }
0x78: {  	_ =	shalt  }
0x79: {  	_ =	shalt  }
0x7a: {  	_ =	shalt  }
0x7b: {  	_ =	shalt  }
0x7c: {  	_ =	shalt  }
0x7d: {  	_ =	shalt  }
0x7e: {  	_ =	shalt  }
0x7f: {  	_ =	shalt  }
0x80: {  	_ =	shalt  }
0x81: {  	_ =	shalt  }
0x82: {  	_ =	shalt  }
0x83: {  	_ =	shalt  }
0x84: {  	_ =	shalt  }
0x85: {  	_ =	shalt  }
0x86: {  	_ =	shalt  }
0x87: {  	_ =	shalt  }
.Lfunc_end0:
.L_simem_size_0:
called_computation_lowered:
.L_overlay_start_0:
0x88: {  	s2 =	sld [smem:$0x3FD9]  }
0x89: {  	s3 =	sld [smem:$0x3FFE];
	_ =	sdelay $0x1  }
0x8a: {  	s1 =	srdreg.scid  }
0x8b: {  	s0 =	sand.u32 $0x1, s1  }
0x8c: {  	s17 =	sshll.u32 s0, $0xA;
	s2 =	sadd.s32 s3, s2  }
0x8d: {  	s2 =	sadd.s32 s2, s17  }
0x8e: {  	[smem:$0x3FC5] =	sst s2  }
0x8f: {  	_ = 	snop  }
0x90: {  	s2 =	sld [smem:$0x3FC8]  }
0x91: {  	s18 =	sld [smem:$0x3FC7]  }
0x92: {  	s4 =	sld [smem:$0x3FD0];
	(tm) =	ssettm $0x1  }
0x93: {  	s5 =	sld [smem:$0x3FFB];
	_ =	sdelay $0x3  }
0x94: {  	_ =	strace s5  }
0x95: {  	s5 =	sld [smem:$0x3FFC];
	_ =	sdelay $0x3  }
0x96: {  	_ =	strace s5  }
0x97: {  	s5 =	sld [smem:$0x3FFD];
	_ =	sdelay $0x3  }
0x98: {  	_ =	strace s5  }
0x99: {  	_ =	strace $0x8FFFFFFF  }
0x9a: {  	s19 =	sld [smem:$0x3FDB];
	_ =	sdelay $0x1  }
0x9b: {  	s6 =	simm.s32 $_scs_section_size  }
0x9c: {  	s7 =	simm.s32 $_size__tile_overlayer_lowered;
	s8 =	simm.s32 $_tile_overlayer_lowered  }
0x9d: {  	s22 =	simm.s32 $0x1BFF;
	s21 =	sshll.u32 s8, $0x1;
	s5 =	sadd.s32 s6, s19  }
0x9e: {  	s9 =	simm.s32 $0x0;
	s20 =	sshll.u32 s7, $0x1;
	s7 =	sadd.s32 s21, s5  }
0x9f: {  	[timem:s9], [sflag:s22] =	dma.local [hbm:s7], s20  }
0xa0: {  	_ =	swait.ge [sflag:s22], s20  }
0xa1: {  	s6 =	ssub.s32 $0x0, s20;
	[sflag:s22] =	ssyncset.done $0x0  }
0xa2: {  	[sflag:s22] =	ssyncadd.s32 s6;
	_ =	sdelay $0x1  }
0xa3: {  	s23 =	simm.s32 $0x1B8B  }
0xa4: {  	_ =	swait.ge [sflag:s23], $0x1  }
0xa5: {  	[sflag:s23] =	ssyncset.done $0x0  }
0xa6: {  	s25 =	simm.s32 $0x1B8E;
	s24 =	sld [smem:$0x3FFE];
	[sflag:s23] =	ssyncadd.s32 $0xFFFFFFFF  }
0xa7: {  	s26 =	simm.s32 $execute0_lowered;
	[smem:$0x3FD2] =	sst s25  }
0xa8: {  	s7 =	sshll.u32 s26, $0x1;
	_ =	strace $0x80000046;
	[dreg:$0x1] =	wrdreg $0xFFFFFFFF  }
0xa9: {  	s28 =	simm.s32 $_size_execute0_lowered;
	s5 =	sadd.s32 s5, s7;
	[dreg:$0x0] =	wrdreg $0x0  }
0xaa: {  	s7 =	sshll.u32 s28, $0x1;
	[dreg:$0x2] =	wrdreg s5  }
0xab: {  	[dreg:$0x3] =	wrdreg s7  }
0xac: {  	[dreg:$0x4] =	wrdreg $0xC0  }
0xad: {  	_ =	task [dreg:s9], $0x5FFFF  }
0xae: {  	[dreg:$0x1] =	wrdreg $0xFFFFFFFF  }
0xaf: {  	[dreg:$0x0] =	wrdreg $0x60  }
0xb0: {  	[dreg:$0x2] =	wrdreg s4  }
0xb1: {  	[dreg:$0x3] =	wrdreg s2  }
0xb2: {  	[dreg:$0x4] =	wrdreg s18  }
0xb3: {  	[dreg:$0x5] =	wrdreg s24  }
0xb4: {  	[dreg:$0x6] =	wrdreg $0x9  }
0xb5: {  	_ =	task.clear_ibuf [dreg:s9], $0x7FFFF;
	_ =	strace $0x90000046  }
0xb6: {  	s29 =	simm.s32 $0x9;
	_ =	strace $0x80000048  }
0xb7: {  	_ =	swait.ge [sflag:s29], $0x1  }
0xb8: {  	[sflag:s29] =	ssyncadd.s32 $0xFFFFFFFF  }
0xb9: {  	_ =	strace $0x90000048  }
0xba: {  	_ =	sfence  }
0xbb: {  	s30 =	sld [smem:$0x0];
	_ =	sdelay $0x2  }
0xbc: {  	s31 =	sshll.u32 s1, $0xD;
	s1 =	sshrl.u32 s1, $0x2  }
0xbd: {  	s3 =	sand.u32 $0x4000, s31;
	s1 =	sadd.s32 s1, s30  }
0xbe: {  	s0 =	sor.u32 s3, s0;
	s1 =	sshll.u32 s1, $0x11  }
0xbf: {  	s0 =	sor.u32 s1, s0  }
0xc0: {  	s0 =	sadd.s32 $0x8F2B, s0  }
0xc1: {  	[sflag:s0] =	ssyncadd.remote.s32 $0x1  }
0xc2: {  	_ =	sfence.sel $0xFFFF  }
0xc3: {  	[dreg:$0x0] =	wrdreg $0xFFFFFFFF;
	(pc) =	sbr.abs _section_cstart, $3  }
0xc4: {  	[dreg:$0x1] =	wrdreg $0xFFFFFFFF  }
0xc5: {  	_ =	task.clear_ibuf [dreg:s9], $0x2FFFF;
	_ =	strace $0x9FFFFFFF  }
0xc6: {  	(tm) =	ssettm $0x7FFFFFFF  }
0xc7: {  	_ =	shalt  }
tec
execute0_lowered:
.L_overlay_start_1:
0x0: {  	(tag) =	ssettag $0x1  }
0x1: {  	s0 =	rddreg [dreg:$0x0]  }
0x2: {  	s31 =	rddreg [dreg:$0x1]  }
0x3: {  	s5 =	rddreg [dreg:$0x2]  }
0x4: {  	s1 =	rddreg [dreg:$0x3]  }
0x5: {  	s4 =	stileid.u32;
	s2 =	srdreg.scid  }
0x6: {  	s6 =	simm.s32 $0x0;
	s3 =	sshll.u32 s4, $0x1;
	s2 =	sand.u32 $0x1, s2  }
0x7: {  	[smem:$0x7FF] =	sst s6;
	s4 =	sshrl.u32 s4, $0x1;
	s9 =	sadd.s32 $0x200, s31  }
0x8: {  	s10 =	sadd.s32 $0x300, s31;
	s11 =	sadd.s32 $0x400, s31;
	s12 =	sadd.s32 $0x500, s31  }
0x9: {  	s13 =	sadd.s32 $0x600, s31;
	s14 =	sadd.s32 $0x700, s31;
	s15 =	sadd.s32 $0x800, s31  }
0xa: {  	s16 =	sadd.s32 $0x900, s31;
	s17 =	sadd.s32 $0xA00, s31;
	s18 =	sadd.s32 $0xB00, s31  }
0xb: {  	s19 =	sadd.s32 $0xC00, s31;
	s20 =	sadd.s32 $0xD00, s31;
	s21 =	sadd.s32 $0xE00, s31  }
0xc: {  	s22 =	sadd.s32 $0xF00, s31;
	s3 =	sand.u32 $0x2, s3;
	_ =	strace $0x80000047  }
0xd: {  	s8 =	sshll.u32 s4, $0x5;
	s7 =	sshll.u32 s4, $0x4;
	s3 =	sor.u32 s2, s3  }
0xe: {  	s28 =	sshll.u32 s4, $0xE;
	s2 =	ssub.s32 $0x2, s2;
	s25 =	sshll.u32 s3, $0x8  }
0xf: {  	[dreg:$0x5] =	wrdreg s8;
	s1 =	sadd.s32 s7, s1;
	s6 =	sor.u32 s8, s25  }
0x10: {  	s7 =	simm.s32 $0x0;
	s26 =	sshrl.u32 s2, $0x1;
	s6 =	sshrl.u32 s6, $0x3  }
0x11: {  	s29 =	sshll.u32 s3, $0xC;
	s3 =	simm.s32 $0x4;
	s0 =	sadd.s32 s0, s6  }
0x12: {  	s2 =	ssub.s32 s2, s26;
	[dreg:$0x6] =	wrdreg s0;
	s0 =	sadd.s32 s5, s28  }
0x13: {  	v1 =	vlaneseq.u32;
	s30 =	smax.u32 s2, $0x1;
	[dreg:$0x7] =	wrdreg s0;
	s0 =	sadd.s32 s29, s1  }
0x14: {  	v0 =	vimm.f32 $0.0e+00;
	v2 =	vshrl.u32 v1, $0x3;
	s8 =	sadd.s32 $0x100, s31;
	[dreg:$0x9] =	wrdreg s30;
	s0 =	sadd.s32 $0x1A00, s0  }
0x15: {  	vm0 =	vmmov $0xffff;
	v1 =	vand.u32 $0x7, v1;
	v2 =	vmul.u32 $0x8, v2;
	s2 =	simm.s32 $0x0;
	[dreg:$0x8] =	wrdreg s0;
	s0 =	simm.s32 $0x1  }
.LBB2_1:
0x16: {  	[dreg:$0xa] =	wrdreg s2  }
0x17: {  	s1 =	simm.s32 $0x0;
	s30 =	rddreg [dreg:$0x6]  }
0x18: {  	[tilespmem:s1], [sflag:$0x4] =	stream.linear.gather [hbm4b:s30+s1], $0x20, $0x38;
	[tilespmem:$0x19080] =	vst v63  }
0x19: {  	_ =	swait.ge [sflag:s3], $0x20  }
0x1a: {  	[sflag:s3] =	ssyncset.done $0x0  }
0x1b: {  	s2 =	simm.s32 $0x40;
	[sflag:s3] =	ssyncadd.s32 $0xFFFFFFE0;
	s3 =	simm.s32 $0x0  }
.LBB2_2:
0x1c: {  	p0 =	sne.s32 s2, $0x3FC0;
	[tilespmem:s3+$0x18080] =	vst v0;
	s3 =	smov.u32 s2;
	s2 =	sadd.s32 $0x40, s2  }
.Ltmp0:
0x1d: {  	(pc) =	sbr.rel @p0 .LBB2_2-.Ltmp0, $2  }
0x1e: {  	_ =	sdelay $0x2  }
0x1f: {  	s3 =	sshra.s32 s3, $0x2  }
0x20: {  	[tilespmem:s3+$0x18080] =	vst v0;
	s1 =	rddreg [dreg:$0x7];
	s2 =	simm.s32 $0x80  }
0x21: {  	[tilespmem:s2], [sflag:$0x1] =	stream.linear.gather [hbm4b:s1+s7], $0x8000, $0x38;
	[tilespmem:$0x19080] =	vst v63  }
0x22: {  	v3 =	vld.msk [tilespmem:$0x0], $0xff;
	_ =	sdelay $0x4  }
0x23: {  	v4 =	vshll.u32 v3, $0x5  }
0x24: {  	v3 =	vand.u32 $0x7, v3;
	v4 =	vand.u32 $0xFFFFFF00, v4  }
0x25: {  	v3 =	vor.u32 v3, v4  }
0x26: {  	v3 =	vperm.xlane v3, v1;
	_ =	sdelay $0x1  }
0x27: {  	v3 =	vadd.s32 v2, v3;
	_ =	sdelay $0x3  }
0x28: {  	s26 =	simm.s32 $0x8080  }
0x29: {  	[tilespmem:s26], [sflag:$0x2] =	stream.indirect_vreg.gather [hbm4b:s31+s7], $0x80, v3, vm0, $0xb8;
	[tilespmem:$0x19080] =	vst v63  }
0x2a: {  	s28 =	simm.s32 $0x8880  }
0x2b: {  	[tilespmem:s28], [sflag:$0x2] =	stream.indirect_vreg.gather [hbm4b:s8+s7], $0x80, v3, vm0, $0xb8;
	[tilespmem:$0x19080] =	vst v63  }
0x2c: {  	s29 =	simm.s32 $0x9080  }
0x2d: {  	[tilespmem:s29], [sflag:$0x2] =	stream.indirect_vreg.gather [hbm4b:s9+s7], $0x80, v3, vm0, $0xb8;
	[tilespmem:$0x19080] =	vst v63  }
0x2e: {  	s30 =	simm.s32 $0x9880  }
0x2f: {  	[tilespmem:s30], [sflag:$0x2] =	stream.indirect_vreg.gather [hbm4b:s10+s7], $0x80, v3, vm0, $0xb8;
	[tilespmem:$0x19080] =	vst v63  }
0x30: {  	s2 =	simm.s32 $0xA080  }
0x31: {  	[tilespmem:s2], [sflag:$0x2] =	stream.indirect_vreg.gather [hbm4b:s11+s7], $0x80, v3, vm0, $0xb8;
	[tilespmem:$0x19080] =	vst v63  }
0x32: {  	s3 =	simm.s32 $0xA880  }
0x33: {  	[tilespmem:s3], [sflag:$0x2] =	stream.indirect_vreg.gather [hbm4b:s12+s7], $0x80, v3, vm0, $0xb8;
	[tilespmem:$0x19080] =	vst v63  }
0x34: {  	s4 =	simm.s32 $0xB080  }
0x35: {  	[tilespmem:s4], [sflag:$0x2] =	stream.indirect_vreg.gather [hbm4b:s13+s7], $0x80, v3, vm0, $0xb8;
	[tilespmem:$0x19080] =	vst v63  }
0x36: {  	s5 =	simm.s32 $0xB880  }
0x37: {  	[tilespmem:s5], [sflag:$0x2] =	stream.indirect_vreg.gather [hbm4b:s14+s7], $0x80, v3, vm0, $0xb8;
	[tilespmem:$0x19080] =	vst v63  }
0x38: {  	s6 =	simm.s32 $0xC080  }
0x39: {  	[tilespmem:s6], [sflag:$0x2] =	stream.indirect_vreg.gather [hbm4b:s15+s7], $0x80, v3, vm0, $0xb8;
	[tilespmem:$0x19080] =	vst v63  }
0x3a: {  	s23 =	simm.s32 $0xC880  }
0x3b: {  	[tilespmem:s23], [sflag:$0x2] =	stream.indirect_vreg.gather [hbm4b:s16+s7], $0x80, v3, vm0, $0xb8;
	[tilespmem:$0x19080] =	vst v63  }
0x3c: {  	s24 =	simm.s32 $0xD080  }
0x3d: {  	[tilespmem:s24], [sflag:$0x2] =	stream.indirect_vreg.gather [hbm4b:s17+s7], $0x80, v3, vm0, $0xb8;
	[tilespmem:$0x19080] =	vst v63  }
0x3e: {  	s25 =	simm.s32 $0xD880  }
0x3f: {  	[tilespmem:s25], [sflag:$0x2] =	stream.indirect_vreg.gather [hbm4b:s18+s7], $0x80, v3, vm0, $0xb8;
	[tilespmem:$0x19080] =	vst v63  }
0x40: {  	s26 =	simm.s32 $0xE080  }
0x41: {  	[tilespmem:s26], [sflag:$0x2] =	stream.indirect_vreg.gather [hbm4b:s19+s7], $0x80, v3, vm0, $0xb8;
	[tilespmem:$0x19080] =	vst v63  }
0x42: {  	s28 =	simm.s32 $0xE880  }
0x43: {  	[tilespmem:s28], [sflag:$0x2] =	stream.indirect_vreg.gather [hbm4b:s20+s7], $0x80, v3, vm0, $0xb8;
	[tilespmem:$0x19080] =	vst v63  }
0x44: {  	s29 =	simm.s32 $0xF080  }
0x45: {  	[tilespmem:s29], [sflag:$0x2] =	stream.indirect_vreg.gather [hbm4b:s21+s7], $0x80, v3, vm0, $0xb8;
	[tilespmem:$0x19080] =	vst v63  }
0x46: {  	p2 =	por $0x1, $0x1;
	s30 =	simm.s32 $0xF880;
	s23 =	simm.s32 $0x0  }
0x47: {  	[tilespmem:s30], [sflag:$0x2] =	stream.indirect_vreg.gather [hbm4b:s22+s7], $0x80, v3, vm0, $0xb8;
	[tilespmem:$0x19080] =	vst v63  }
.LBB2_4:
0x48: {  	s2 =	sshll.u32 s23, $0x4  }
0x49: {  	s24 =	sor.u32 $0x8, s2  }
0x4a: {  	v3 =	vld.msk [tilespmem:s24+$0x0], $0xff;
	_ =	sdelay $0x4  }
0x4b: {  	v4 =	vshll.u32 v3, $0x5  }
0x4c: {  	v3 =	vand.u32 $0x7, v3;
	v4 =	vand.u32 $0xFFFFFF00, v4  }
0x4d: {  	v3 =	vor.u32 v3, v4  }
0x4e: {  	v3 =	vperm.xlane v3, v1;
	_ =	sdelay $0x1  }
0x4f: {  	v3 =	vadd.s32 v2, v3;
	_ =	sdelay $0x3  }
0x50: {  	s1 =	simm.s32 $0x10080  }
0x51: {  	[tilespmem:s1], [sflag:$0x3] =	stream.indirect_vreg.gather [hbm4b:s31+s7], $0x80, v3, vm0, $0xb8;
	[tilespmem:$0x19080] =	vst v63  }
0x52: {  	s2 =	simm.s32 $0x10880  }
0x53: {  	[tilespmem:s2], [sflag:$0x3] =	stream.indirect_vreg.gather [hbm4b:s8+s7], $0x80, v3, vm0, $0xb8;
	[tilespmem:$0x19080] =	vst v63  }
0x54: {  	s3 =	simm.s32 $0x11080  }
0x55: {  	[tilespmem:s3], [sflag:$0x3] =	stream.indirect_vreg.gather [hbm4b:s9+s7], $0x80, v3, vm0, $0xb8;
	[tilespmem:$0x19080] =	vst v63  }
0x56: {  	s4 =	simm.s32 $0x11880  }
0x57: {  	[tilespmem:s4], [sflag:$0x3] =	stream.indirect_vreg.gather [hbm4b:s10+s7], $0x80, v3, vm0, $0xb8;
	[tilespmem:$0x19080] =	vst v63  }
0x58: {  	s6 =	simm.s32 $0x12080  }
0x59: {  	[tilespmem:s6], [sflag:$0x3] =	stream.indirect_vreg.gather [hbm4b:s11+s7], $0x80, v3, vm0, $0xb8;
	[tilespmem:$0x19080] =	vst v63  }
0x5a: {  	s25 =	simm.s32 $0x12880  }
0x5b: {  	[tilespmem:s25], [sflag:$0x3] =	stream.indirect_vreg.gather [hbm4b:s12+s7], $0x80, v3, vm0, $0xb8;
	[tilespmem:$0x19080] =	vst v63  }
0x5c: {  	s26 =	simm.s32 $0x13080  }
0x5d: {  	[tilespmem:s26], [sflag:$0x3] =	stream.indirect_vreg.gather [hbm4b:s13+s7], $0x80, v3, vm0, $0xb8;
	[tilespmem:$0x19080] =	vst v63  }
0x5e: {  	s29 =	simm.s32 $0x13880  }
0x5f: {  	[tilespmem:s29], [sflag:$0x3] =	stream.indirect_vreg.gather [hbm4b:s14+s7], $0x80, v3, vm0, $0xb8;
	[tilespmem:$0x19080] =	vst v63  }
0x60: {  	s30 =	simm.s32 $0x14080  }
0x61: {  	[tilespmem:s30], [sflag:$0x3] =	stream.indirect_vreg.gather [hbm4b:s15+s7], $0x80, v3, vm0, $0xb8;
	[tilespmem:$0x19080] =	vst v63  }
0x62: {  	s5 =	smov.u32 s31;
	s31 =	simm.s32 $0x14880  }
0x63: {  	[tilespmem:s31], [sflag:$0x3] =	stream.indirect_vreg.gather [hbm4b:s16+s7], $0x80, v3, vm0, $0xb8;
	[tilespmem:$0x19080] =	vst v63  }
0x64: {  	s2 =	simm.s32 $0x15080  }
0x65: {  	[tilespmem:s2], [sflag:$0x3] =	stream.indirect_vreg.gather [hbm4b:s17+s7], $0x80, v3, vm0, $0xb8;
	[tilespmem:$0x19080] =	vst v63  }
0x66: {  	s3 =	simm.s32 $0x15880  }
0x67: {  	[tilespmem:s3], [sflag:$0x3] =	stream.indirect_vreg.gather [hbm4b:s18+s7], $0x80, v3, vm0, $0xb8;
	[tilespmem:$0x19080] =	vst v63  }
0x68: {  	s4 =	simm.s32 $0x16080  }
0x69: {  	[tilespmem:s4], [sflag:$0x3] =	stream.indirect_vreg.gather [hbm4b:s19+s7], $0x80, v3, vm0, $0xb8;
	[tilespmem:$0x19080] =	vst v63  }
0x6a: {  	s6 =	simm.s32 $0x16880  }
0x6b: {  	[tilespmem:s6], [sflag:$0x3] =	stream.indirect_vreg.gather [hbm4b:s20+s7], $0x80, v3, vm0, $0xb8;
	[tilespmem:$0x19080] =	vst v63  }
0x6c: {  	s25 =	simm.s32 $0x17080  }
0x6d: {  	[tilespmem:s25], [sflag:$0x3] =	stream.indirect_vreg.gather [hbm4b:s21+s7], $0x80, v3, vm0, $0xb8;
	[tilespmem:$0x19080] =	vst v63  }
0x6e: {  	s26 =	simm.s32 $0x17880  }
0x6f: {  	[tilespmem:s26], [sflag:$0x3] =	stream.indirect_vreg.gather [hbm4b:s22+s7], $0x80, v3, vm0, $0xb8;
	[tilespmem:$0x19080] =	vst v63  }
0x70: {  	_ =	swait.ge [sflag:s0], $0x8000  }
0x71: {  	[sflag:s0] =	ssyncset.done $0x0  }
0x72: {  	s29 =	simm.s32 $0x2;
	[sflag:s0] =	ssyncadd.s32 $0xFFFF8000  }
0x73: {  	_ =	swait.ge [sflag:s29], $0x8000  }
0x74: {  	s2 =	sand.u32 $0x7C00, s7;
	s3 =	sand.u32 $0x40, s7;
	[sflag:s29] =	ssyncset.done $0x0  }
0x75: {  	s6 =	sor.u32 s3, s2;
	[sflag:s29] =	ssyncadd.s32 $0xFFFF8000  }
0x76: {  	v3 =	vld [tilespmem:s6+$0x8100]  }
0x77: {  	v4 =	vld [tilespmem:s6+$0x8080]  }
0x78: {  	v5 =	vld [tilespmem:s6+$0x80]  }
0x79: {  	s25 =	simm.s32 $0x18080;
	v6 =	vld [tilespmem:s6+$0x100]  }
0x7a: {  	p1 =	por $0x0, $0x0;
	s4 =	simm.s32 $0x1;
	v7 =	vld [tilespmem:s25+$0x0]  }
0x7b: {  	s4 =	simm.s32 @!p1 $0x0;
	v8 =	vld [tilespmem:s6+$0x180]  }
0x7c: {  	s4 =	sshll.u32 s4, $0x6;
	v9 =	vld [tilespmem:s6+$0x8180]  }
0x7d: {  	s4 =	sadd.s32 $0x0, s4;
	v10 =	vld [tilespmem:s6+$0x8200];
	v4 =	vmul.f32 v5, v4  }
0x7e: {  	s30 =	sor.u32 $0x200, s4;
	v5 =	vld [tilespmem:s6+$0x200]  }
0x7f: {  	v3 =	vmul.f32 v6, v3;
	v6 =	vld [tilespmem:s30+$0x80];
	v4 =	vadd.f32 v4, v7  }
0x80: {  	s31 =	sor.u32 $0x280, s4;
	v7 =	vld [tilespmem:s30+$0x8080]  }
0x81: {  	v3 =	vadd.f32 v3, v4;
	v4 =	vmul.f32 v8, v9;
	v8 =	vld [tilespmem:s31+$0x80]  }
0x82: {  	s1 =	sor.u32 $0x300, s4;
	v9 =	vld [tilespmem:s31+$0x8080]  }
0x83: {  	v3 =	vadd.f32 v4, v3;
	v4 =	vmul.f32 v5, v10;
	v5 =	vld [tilespmem:s1+$0x80]  }
0x84: {  	s26 =	sor.u32 $0x380, s4;
	v10 =	vld [tilespmem:s1+$0x8080]  }
0x85: {  	v3 =	vadd.f32 v4, v3;
	v4 =	vmul.f32 v6, v7;
	v6 =	vld [tilespmem:s26+$0x80]  }
0x86: {  	v7 =	vld [tilespmem:s26+$0x8080]  }
0x87: {  	v3 =	vadd.f32 v4, v3;
	v4 =	vmul.f32 v8, v9;
	_ =	sdelay $0x1  }
0x88: {  	v3 =	vadd.f32 v4, v3;
	v4 =	vmul.f32 v5, v10;
	_ =	sdelay $0x1  }
0x89: {  	v3 =	vadd.f32 v4, v3;
	v4 =	vmul.f32 v6, v7;
	_ =	sdelay $0x1  }
0x8a: {  	v3 =	vadd.f32 v4, v3  }
0x8b: {  	s29 =	sor.u32 $0x10, s3  }
0x8c: {  	s26 =	sor.u32 s2, s29;
	[tilespmem:s25+$0x0] =	vst v3  }
0x8d: {  	s28 =	sand.u32 $0xF80, s7;
	v3 =	vld [tilespmem:s26+$0x100]  }
0x8e: {  	s28 =	sadd.s32 $0x18080, s28;
	v4 =	vld [tilespmem:s26+$0x80]  }
0x8f: {  	s6 =	sor.u32 s29, s28;
	v5 =	vld [tilespmem:s26+$0x8080]  }
0x90: {  	v6 =	vld [tilespmem:s6+$0x0]  }
0x91: {  	v7 =	vld [tilespmem:s26+$0x8100]  }
0x92: {  	v8 =	vld [tilespmem:s26+$0x180]  }
0x93: {  	v9 =	vld [tilespmem:s26+$0x8180]  }
0x94: {  	s29 =	sadd.s32 $0x10, s4;
	v10 =	vld [tilespmem:s26+$0x8200];
	v4 =	vmul.f32 v4, v5  }
0x95: {  	s30 =	sor.u32 $0x200, s29;
	v5 =	vld [tilespmem:s26+$0x200]  }
0x96: {  	v3 =	vmul.f32 v3, v7;
	v7 =	vld [tilespmem:s30+$0x8080];
	v4 =	vadd.f32 v4, v6  }
0x97: {  	s31 =	sor.u32 $0x280, s29;
	v6 =	vld [tilespmem:s30+$0x80]  }
0x98: {  	v3 =	vadd.f32 v3, v4;
	v4 =	vmul.f32 v8, v9;
	v8 =	vld [tilespmem:s31+$0x80]  }
0x99: {  	s1 =	sor.u32 $0x300, s29;
	v9 =	vld [tilespmem:s31+$0x8080]  }
0x9a: {  	v3 =	vadd.f32 v4, v3;
	v4 =	vmul.f32 v5, v10;
	v5 =	vld [tilespmem:s1+$0x80]  }
0x9b: {  	s29 =	sor.u32 $0x380, s29;
	v10 =	vld [tilespmem:s1+$0x8080]  }
0x9c: {  	v3 =	vadd.f32 v4, v3;
	v4 =	vmul.f32 v6, v7;
	v6 =	vld [tilespmem:s29+$0x80]  }
0x9d: {  	v7 =	vld [tilespmem:s29+$0x8080]  }
0x9e: {  	v3 =	vadd.f32 v4, v3;
	v4 =	vmul.f32 v8, v9;
	_ =	sdelay $0x1  }
0x9f: {  	v3 =	vadd.f32 v4, v3;
	v4 =	vmul.f32 v5, v10;
	_ =	sdelay $0x1  }
0xa0: {  	v3 =	vadd.f32 v4, v3;
	v4 =	vmul.f32 v6, v7;
	_ =	sdelay $0x1  }
0xa1: {  	v3 =	vadd.f32 v4, v3  }
0xa2: {  	s30 =	sor.u32 $0x20, s3  }
0xa3: {  	s31 =	sor.u32 s2, s30;
	[tilespmem:s6+$0x0] =	vst v3  }
0xa4: {  	v3 =	vld [tilespmem:s31+$0x8100]  }
0xa5: {  	v4 =	vld [tilespmem:s31+$0x80]  }
0xa6: {  	v5 =	vld [tilespmem:s31+$0x8080]  }
0xa7: {  	s26 =	sor.u32 s30, s28;
	v6 =	vld [tilespmem:s31+$0x100]  }
0xa8: {  	v7 =	vld [tilespmem:s26+$0x0]  }
0xa9: {  	v8 =	vld [tilespmem:s31+$0x180]  }
0xaa: {  	v9 =	vld [tilespmem:s31+$0x8180]  }
0xab: {  	s29 =	sadd.s32 $0x20, s4;
	v10 =	vld [tilespmem:s31+$0x8200];
	v4 =	vmul.f32 v4, v5  }
0xac: {  	s1 =	sor.u32 $0x200, s29;
	v5 =	vld [tilespmem:s31+$0x200]  }
0xad: {  	v3 =	vmul.f32 v6, v3;
	v6 =	vld [tilespmem:s1+$0x80];
	v4 =	vadd.f32 v4, v7  }
0xae: {  	s30 =	sor.u32 $0x280, s29;
	v7 =	vld [tilespmem:s1+$0x8080]  }
0xaf: {  	v3 =	vadd.f32 v3, v4;
	v4 =	vmul.f32 v8, v9;
	v8 =	vld [tilespmem:s30+$0x80]  }
0xb0: {  	s31 =	sor.u32 $0x300, s29;
	v9 =	vld [tilespmem:s30+$0x8080]  }
0xb1: {  	v3 =	vadd.f32 v4, v3;
	v4 =	vmul.f32 v5, v10;
	v5 =	vld [tilespmem:s31+$0x80]  }
0xb2: {  	s1 =	sor.u32 $0x380, s29;
	v10 =	vld [tilespmem:s31+$0x8080]  }
0xb3: {  	v3 =	vadd.f32 v4, v3;
	v4 =	vmul.f32 v6, v7;
	v6 =	vld [tilespmem:s1+$0x80]  }
0xb4: {  	v7 =	vld [tilespmem:s1+$0x8080]  }
0xb5: {  	v3 =	vadd.f32 v4, v3;
	v4 =	vmul.f32 v8, v9;
	_ =	sdelay $0x1  }
0xb6: {  	v3 =	vadd.f32 v4, v3;
	v4 =	vmul.f32 v5, v10;
	_ =	sdelay $0x1  }
0xb7: {  	v3 =	vadd.f32 v4, v3;
	v4 =	vmul.f32 v6, v7;
	_ =	sdelay $0x1  }
0xb8: {  	v3 =	vadd.f32 v4, v3  }
0xb9: {  	s3 =	sor.u32 $0x30, s3  }
0xba: {  	[tilespmem:s26+$0x0] =	vst v3;
	s26 =	sor.u32 s2, s3  }
0xbb: {  	v3 =	vld [tilespmem:s26+$0x100]  }
0xbc: {  	v4 =	vld [tilespmem:s26+$0x8100]  }
0xbd: {  	v5 =	vld [tilespmem:s26+$0x80]  }
0xbe: {  	s2 =	sor.u32 s3, s28;
	v6 =	vld [tilespmem:s26+$0x8080]  }
0xbf: {  	v7 =	vld [tilespmem:s2+$0x0]  }
0xc0: {  	v8 =	vld [tilespmem:s26+$0x8180]  }
0xc1: {  	v9 =	vld [tilespmem:s26+$0x180]  }
0xc2: {  	s29 =	sadd.s32 $0x30, s4;
	v10 =	vld [tilespmem:s26+$0x8200]  }
0xc3: {  	s4 =	sor.u32 $0x200, s29;
	v11 =	vld [tilespmem:s26+$0x200];
	v5 =	vmul.f32 v5, v6  }
0xc4: {  	v12 =	vld [tilespmem:s4+$0x8080]  }
0xc5: {  	s30 =	sor.u32 $0x280, s29;
	v13 =	vld [tilespmem:s4+$0x80];
	v6 =	vmul.f32 v3, v4;
	v5 =	vadd.f32 v5, v7  }
0xc6: {  	v3 =	vld [tilespmem:s30+$0x8080]  }
0xc7: {  	s31 =	sor.u32 $0x300, s29;
	v4 =	vld [tilespmem:s30+$0x80];
	v7 =	vmul.f32 v9, v8;
	v8 =	vadd.f32 v6, v5  }
0xc8: {  	v5 =	vld [tilespmem:s31+$0x8080]  }
0xc9: {  	s3 =	sor.u32 $0x380, s29;
	v9 =	vmul.f32 v11, v10;
	v6 =	vld [tilespmem:s31+$0x80];
	v10 =	vadd.f32 v7, v8  }
0xca: {  	p0 =	por p2, p2;
	s28 =	simm.s32 $0x0;
	s4 =	simm.s32 $0x200;
	v8 =	vmul.f32 v13, v12;
	v7 =	vld [tilespmem:s3+$0x8080]  }
.LBB2_5:
0xcb: {  	v9 =	vadd.f32 v9, v10;
	v10 =	vld [tilespmem:s3+$0x80];
	p1 =	por !p1, !p1;
	s28 =	sadd.s32 $0x40, s28;
	s25 =	sadd.s32 $0x40, s25  }
0xcc: {  	p2 =	sne.s32 s4, $0x7E00;
	s3 =	smov.u32 s4;
	s4 =	sadd.s32 $0x200, s4;
	v3 =	vmul.f32 v4, v3  }
0xcd: {  	v4 =	vadd.f32 v8, v9  }
0xce: {  	v5 =	vmul.f32 v6, v5  }
0xcf: {  	v3 =	vadd.f32 v3, v4  }
0xd0: {  	v4 =	vmul.f32 v10, v7  }
0xd1: {  	v3 =	vadd.f32 v5, v3;
	_ =	sdelay $0x1  }
0xd2: {  	v3 =	vadd.f32 v4, v3  }
0xd3: {  	s31 =	sand.u32 $0x40, s28;
	s30 =	sand.u32 $0x7C00, s3  }
0xd4: {  	s29 =	sor.u32 s31, s30;
	s26 =	sor.u32 $0x10, s31;
	[tilespmem:s2+$0x0] =	vst v3  }
0xd5: {  	v3 =	vld [tilespmem:s29+$0x8100]  }
0xd6: {  	v4 =	vld [tilespmem:s29+$0x100]  }
0xd7: {  	v5 =	vld [tilespmem:s29+$0x8080]  }
0xd8: {  	v6 =	vld [tilespmem:s29+$0x80];
	_ =	sdelay $0x1  }
0xd9: {  	s2 =	simm.s32 $0x1;
	v7 =	vld [tilespmem:s25+$0x0]  }
0xda: {  	s2 =	simm.s32 @!p1 $0x0;
	v8 =	vld [tilespmem:s29+$0x180]  }
0xdb: {  	s2 =	sshll.u32 s2, $0x6;
	v3 =	vmul.f32 v4, v3;
	v4 =	vld [tilespmem:s29+$0x8180]  }
0xdc: {  	s6 =	sadd.s32 s2, s3;
	v5 =	vmul.f32 v6, v5;
	v6 =	vld [tilespmem:s29+$0x200]  }
0xdd: {  	s2 =	sor.u32 $0x200, s6;
	s3 =	sadd.s32 $0x20, s6;
	v9 =	vld [tilespmem:s29+$0x8200];
	s29 =	sadd.s32 $0x30, s6  }
0xde: {  	v5 =	vadd.f32 v5, v7;
	v7 =	vld [tilespmem:s2+$0x80]  }
0xdf: {  	v10 =	vld [tilespmem:s2+$0x8080];
	s2 =	sor.u32 $0x280, s6  }
0xe0: {  	v3 =	vadd.f32 v3, v5;
	v4 =	vmul.f32 v8, v4;
	v5 =	vld [tilespmem:s2+$0x80]  }
0xe1: {  	v8 =	vld [tilespmem:s2+$0x8080];
	s2 =	sor.u32 $0x300, s6  }
0xe2: {  	v3 =	vadd.f32 v4, v3;
	v4 =	vmul.f32 v6, v9;
	v6 =	vld [tilespmem:s2+$0x80]  }
0xe3: {  	v9 =	vld [tilespmem:s2+$0x8080];
	s2 =	sor.u32 $0x380, s6  }
0xe4: {  	v3 =	vadd.f32 v4, v3;
	v4 =	vmul.f32 v7, v10;
	v7 =	vld [tilespmem:s2+$0x80]  }
0xe5: {  	v10 =	vld [tilespmem:s2+$0x8080]  }
0xe6: {  	v3 =	vadd.f32 v4, v3;
	v4 =	vmul.f32 v5, v8;
	_ =	sdelay $0x1  }
0xe7: {  	v3 =	vadd.f32 v4, v3;
	v4 =	vmul.f32 v6, v9;
	_ =	sdelay $0x1  }
0xe8: {  	v3 =	vadd.f32 v4, v3;
	v4 =	vmul.f32 v7, v10;
	_ =	sdelay $0x1  }
0xe9: {  	v3 =	vadd.f32 v4, v3;
	_ =	sdelay $0x1  }
0xea: {  	s1 =	sor.u32 s30, s26;
	[tilespmem:s25+$0x0] =	vst v3  }
0xeb: {  	s2 =	sand.u32 $0xF80, s28;
	v3 =	vld [tilespmem:s1+$0x100]  }
0xec: {  	s2 =	sadd.s32 $0x18080, s2;
	v4 =	vld [tilespmem:s1+$0x80]  }
0xed: {  	s26 =	sor.u32 s26, s2;
	v5 =	vld [tilespmem:s1+$0x8080]  }
0xee: {  	v6 =	vld [tilespmem:s26+$0x0]  }
0xef: {  	v7 =	vld [tilespmem:s1+$0x8100]  }
0xf0: {  	v8 =	vld [tilespmem:s1+$0x180]  }
0xf1: {  	v9 =	vld [tilespmem:s1+$0x8180]  }
0xf2: {  	s6 =	sadd.s32 $0x10, s6;
	v4 =	vmul.f32 v4, v5;
	v5 =	vld [tilespmem:s1+$0x200]  }
0xf3: {  	v10 =	vld [tilespmem:s1+$0x8200];
	s1 =	sor.u32 $0x200, s6  }
0xf4: {  	v4 =	vadd.f32 v4, v6;
	v3 =	vmul.f32 v3, v7;
	v6 =	vld [tilespmem:s1+$0x80]  }
0xf5: {  	v7 =	vld [tilespmem:s1+$0x8080];
	s1 =	sor.u32 $0x280, s6  }
0xf6: {  	v3 =	vadd.f32 v3, v4;
	v4 =	vmul.f32 v8, v9;
	v8 =	vld [tilespmem:s1+$0x80]  }
0xf7: {  	v9 =	vld [tilespmem:s1+$0x8080];
	s1 =	sor.u32 $0x300, s6  }
0xf8: {  	v3 =	vadd.f32 v4, v3;
	v4 =	vmul.f32 v5, v10;
	v5 =	vld [tilespmem:s1+$0x80]  }
0xf9: {  	v10 =	vld [tilespmem:s1+$0x8080];
	s1 =	sor.u32 $0x380, s6  }
0xfa: {  	v3 =	vadd.f32 v4, v3;
	v4 =	vmul.f32 v6, v7;
	v6 =	vld [tilespmem:s1+$0x80]  }
0xfb: {  	v7 =	vld [tilespmem:s1+$0x8080]  }
0xfc: {  	v3 =	vadd.f32 v4, v3;
	v4 =	vmul.f32 v8, v9;
	_ =	sdelay $0x1  }
0xfd: {  	v3 =	vadd.f32 v4, v3;
	v4 =	vmul.f32 v5, v10;
	_ =	sdelay $0x1  }
0xfe: {  	v3 =	vadd.f32 v4, v3;
	v4 =	vmul.f32 v6, v7;
	_ =	sdelay $0x1  }
0xff: {  	v3 =	vadd.f32 v4, v3  }
0x100: {  	s1 =	sor.u32 $0x20, s31  }
0x101: {  	s6 =	sor.u32 s30, s1;
	[tilespmem:s26+$0x0] =	vst v3  }
0x102: {  	v3 =	vld [tilespmem:s6+$0x8100]  }
0x103: {  	v4 =	vld [tilespmem:s6+$0x80]  }
0x104: {  	v5 =	vld [tilespmem:s6+$0x8080]  }
0x105: {  	s1 =	sor.u32 s1, s2;
	v6 =	vld [tilespmem:s6+$0x100]  }
0x106: {  	v7 =	vld [tilespmem:s1+$0x0]  }
0x107: {  	v8 =	vld [tilespmem:s6+$0x180]  }
0x108: {  	v9 =	vld [tilespmem:s6+$0x8180]  }
0x109: {  	v4 =	vmul.f32 v4, v5;
	v5 =	vld [tilespmem:s6+$0x200]  }
0x10a: {  	v3 =	vmul.f32 v6, v3;
	v6 =	vld [tilespmem:s6+$0x8200];
	s6 =	sor.u32 $0x200, s3  }
0x10b: {  	v4 =	vadd.f32 v4, v7;
	v7 =	vld [tilespmem:s6+$0x80]  }
0x10c: {  	v10 =	vld [tilespmem:s6+$0x8080];
	s6 =	sor.u32 $0x280, s3  }
0x10d: {  	v3 =	vadd.f32 v3, v4;
	v4 =	vmul.f32 v8, v9;
	v8 =	vld [tilespmem:s6+$0x80]  }
0x10e: {  	v9 =	vld [tilespmem:s6+$0x8080];
	s6 =	sor.u32 $0x300, s3  }
0x10f: {  	v3 =	vadd.f32 v4, v3;
	v4 =	vmul.f32 v5, v6;
	v5 =	vld [tilespmem:s6+$0x80]  }
0x110: {  	s3 =	sor.u32 $0x380, s3;
	v6 =	vld [tilespmem:s6+$0x8080]  }
0x111: {  	v3 =	vadd.f32 v4, v3;
	v4 =	vmul.f32 v7, v10;
	v7 =	vld [tilespmem:s3+$0x80]  }
0x112: {  	v10 =	vld [tilespmem:s3+$0x8080]  }
0x113: {  	v3 =	vadd.f32 v4, v3;
	v4 =	vmul.f32 v8, v9;
	_ =	sdelay $0x1  }
0x114: {  	v3 =	vadd.f32 v4, v3;
	v4 =	vmul.f32 v5, v6;
	_ =	sdelay $0x1  }
0x115: {  	v3 =	vadd.f32 v4, v3;
	v4 =	vmul.f32 v7, v10;
	_ =	sdelay $0x1  }
0x116: {  	v3 =	vadd.f32 v4, v3  }
0x117: {  	s3 =	sor.u32 $0x30, s31  }
0x118: {  	[tilespmem:s1+$0x0] =	vst v3;
	s1 =	sor.u32 s30, s3  }
0x119: {  	v3 =	vld [tilespmem:s1+$0x100]  }
0x11a: {  	v4 =	vld [tilespmem:s1+$0x8100]  }
0x11b: {  	v5 =	vld [tilespmem:s1+$0x80]  }
0x11c: {  	s2 =	sor.u32 s3, s2;
	v6 =	vld [tilespmem:s1+$0x8080]  }
0x11d: {  	v7 =	vld [tilespmem:s2+$0x0]  }
0x11e: {  	v8 =	vld [tilespmem:s1+$0x8180]  }
0x11f: {  	v9 =	vld [tilespmem:s1+$0x180]  }
0x120: {  	v10 =	vld [tilespmem:s1+$0x8200]  }
0x121: {  	v4 =	vmul.f32 v3, v4;
	v5 =	vmul.f32 v5, v6;
	v6 =	vld [tilespmem:s1+$0x200];
	s1 =	sor.u32 $0x200, s29  }
0x122: {  	v11 =	vld [tilespmem:s1+$0x8080]  }
0x123: {  	v5 =	vadd.f32 v5, v7;
	v7 =	vld [tilespmem:s1+$0x80];
	s1 =	sor.u32 $0x280, s29  }
.Ltmp1:
0x124: {  	v8 =	vmul.f32 v9, v8;
	v3 =	vld [tilespmem:s1+$0x8080];
	(pc) =	sbr.rel @p2 .LBB2_5-.Ltmp1, $4  }
0x125: {  	v12 =	vadd.f32 v4, v5;
	v4 =	vld [tilespmem:s1+$0x80];
	s1 =	sor.u32 $0x300, s29  }
0x126: {  	v9 =	vmul.f32 v6, v10;
	v5 =	vld [tilespmem:s1+$0x8080]  }
0x127: {  	s3 =	sor.u32 $0x380, s29;
	v10 =	vadd.f32 v8, v12;
	v6 =	vld [tilespmem:s1+$0x80]  }
0x128: {  	v8 =	vmul.f32 v7, v11;
	v7 =	vld [tilespmem:s3+$0x8080]  }
0x129: {  	v9 =	vadd.f32 v9, v10  }
0x12a: {  	v10 =	vld [tilespmem:s3+$0x80]  }
0x12b: {  	v3 =	vmul.f32 v4, v3;
	v4 =	vadd.f32 v8, v9;
	_ =	sdelay $0x1  }
0x12c: {  	v5 =	vmul.f32 v6, v5;
	v3 =	vadd.f32 v3, v4;
	_ =	sdelay $0x1  }
0x12d: {  	v4 =	vmul.f32 v10, v7;
	v3 =	vadd.f32 v5, v3  }
0x12e: {  	s1 =	rddreg [dreg:$0x5]  }
0x12f: {  	s4 =	rddreg [dreg:$0x2];
	s1 =	sor.u32 s1, s24;
	v3 =	vadd.f32 v4, v3  }
0x130: {  	s6 =	simm.s32 $0x80;
	s25 =	sshll.u32 s23, $0x3;
	s1 =	sshll.u32 s1, $0x9  }
0x131: {  	s24 =	simm.s32 $0x0;
	s23 =	sor.u32 $0x10, s25;
	s1 =	sadd.s32 s4, s1;
	[tilespmem:s2+$0x0] =	vst v3  }
0x132: {  	[tilespmem:s6], [sflag:$0x1] =	stream.linear.gather [hbm4b:s1+s24], $0x8000, $0x38;
	[tilespmem:$0x19080] =	vst v63  }
0x133: {  	v3 =	vld.msk [tilespmem:s23+$0x0], $0xff;
	_ =	sdelay $0x4  }
0x134: {  	v4 =	vshll.u32 v3, $0x5  }
0x135: {  	v3 =	vand.u32 $0x7, v3;
	v4 =	vand.u32 $0xFFFFFF00, v4  }
0x136: {  	v3 =	vor.u32 v3, v4  }
0x137: {  	v3 =	vperm.xlane v3, v1;
	_ =	sdelay $0x1  }
0x138: {  	v3 =	vadd.s32 v2, v3;
	_ =	sdelay $0x3  }
0x139: {  	s26 =	simm.s32 $0x8080  }
0x13a: {  	[tilespmem:s26], [sflag:$0x2] =	stream.indirect_vreg.gather [hbm4b:s5+s24], $0x80, v3, vm0, $0xb8;
	[tilespmem:$0x19080] =	vst v63  }
0x13b: {  	s28 =	simm.s32 $0x8880  }
0x13c: {  	[tilespmem:s28], [sflag:$0x2] =	stream.indirect_vreg.gather [hbm4b:s8+s24], $0x80, v3, vm0, $0xb8;
	[tilespmem:$0x19080] =	vst v63  }
0x13d: {  	s29 =	simm.s32 $0x9080  }
0x13e: {  	[tilespmem:s29], [sflag:$0x2] =	stream.indirect_vreg.gather [hbm4b:s9+s24], $0x80, v3, vm0, $0xb8;
	[tilespmem:$0x19080] =	vst v63  }
0x13f: {  	s30 =	simm.s32 $0x9880  }
0x140: {  	[tilespmem:s30], [sflag:$0x2] =	stream.indirect_vreg.gather [hbm4b:s10+s24], $0x80, v3, vm0, $0xb8;
	[tilespmem:$0x19080] =	vst v63  }
0x141: {  	s2 =	simm.s32 $0xA080  }
0x142: {  	[tilespmem:s2], [sflag:$0x2] =	stream.indirect_vreg.gather [hbm4b:s11+s24], $0x80, v3, vm0, $0xb8;
	[tilespmem:$0x19080] =	vst v63  }
0x143: {  	s3 =	simm.s32 $0xA880  }
0x144: {  	[tilespmem:s3], [sflag:$0x2] =	stream.indirect_vreg.gather [hbm4b:s12+s24], $0x80, v3, vm0, $0xb8;
	[tilespmem:$0x19080] =	vst v63  }
0x145: {  	s4 =	simm.s32 $0xB080  }
0x146: {  	[tilespmem:s4], [sflag:$0x2] =	stream.indirect_vreg.gather [hbm4b:s13+s24], $0x80, v3, vm0, $0xb8;
	[tilespmem:$0x19080] =	vst v63  }
0x147: {  	s31 =	smov.u32 s5;
	s5 =	simm.s32 $0xB880  }
0x148: {  	[tilespmem:s5], [sflag:$0x2] =	stream.indirect_vreg.gather [hbm4b:s14+s24], $0x80, v3, vm0, $0xb8;
	[tilespmem:$0x19080] =	vst v63  }
0x149: {  	s6 =	simm.s32 $0xC080  }
0x14a: {  	[tilespmem:s6], [sflag:$0x2] =	stream.indirect_vreg.gather [hbm4b:s15+s24], $0x80, v3, vm0, $0xb8;
	[tilespmem:$0x19080] =	vst v63  }
0x14b: {  	s25 =	simm.s32 $0xC880  }
0x14c: {  	[tilespmem:s25], [sflag:$0x2] =	stream.indirect_vreg.gather [hbm4b:s16+s24], $0x80, v3, vm0, $0xb8;
	[tilespmem:$0x19080] =	vst v63  }
0x14d: {  	s26 =	simm.s32 $0xD080  }
0x14e: {  	[tilespmem:s26], [sflag:$0x2] =	stream.indirect_vreg.gather [hbm4b:s17+s24], $0x80, v3, vm0, $0xb8;
	[tilespmem:$0x19080] =	vst v63  }
0x14f: {  	s28 =	simm.s32 $0xD880  }
0x150: {  	[tilespmem:s28], [sflag:$0x2] =	stream.indirect_vreg.gather [hbm4b:s18+s24], $0x80, v3, vm0, $0xb8;
	[tilespmem:$0x19080] =	vst v63  }
0x151: {  	s29 =	simm.s32 $0xE080  }
0x152: {  	[tilespmem:s29], [sflag:$0x2] =	stream.indirect_vreg.gather [hbm4b:s19+s24], $0x80, v3, vm0, $0xb8;
	[tilespmem:$0x19080] =	vst v63  }
0x153: {  	s30 =	simm.s32 $0xE880  }
0x154: {  	[tilespmem:s30], [sflag:$0x2] =	stream.indirect_vreg.gather [hbm4b:s20+s24], $0x80, v3, vm0, $0xb8;
	[tilespmem:$0x19080] =	vst v63  }
0x155: {  	s2 =	simm.s32 $0xF080  }
0x156: {  	[tilespmem:s2], [sflag:$0x2] =	stream.indirect_vreg.gather [hbm4b:s21+s24], $0x80, v3, vm0, $0xb8;
	[tilespmem:$0x19080] =	vst v63  }
0x157: {  	s3 =	simm.s32 $0xF880  }
0x158: {  	[tilespmem:s3], [sflag:$0x2] =	stream.indirect_vreg.gather [hbm4b:s22+s24], $0x80, v3, vm0, $0xb8;
	[tilespmem:$0x19080] =	vst v63  }
0x159: {  	_ =	swait.ge [sflag:s0], $0x8000  }
0x15a: {  	[sflag:s0] =	ssyncset.done $0x0  }
0x15b: {  	s4 =	simm.s32 $0x3;
	[sflag:s0] =	ssyncadd.s32 $0xFFFF8000  }
0x15c: {  	_ =	swait.ge [sflag:s4], $0x8000  }
0x15d: {  	s2 =	sand.u32 $0x7C00, s24;
	s3 =	sand.u32 $0x40, s24;
	[sflag:s4] =	ssyncset.done $0x0  }
0x15e: {  	s5 =	sor.u32 s3, s2;
	[sflag:s4] =	ssyncadd.s32 $0xFFFF8000  }
0x15f: {  	v3 =	vld [tilespmem:s5+$0x10100]  }
0x160: {  	v4 =	vld [tilespmem:s5+$0x10080]  }
0x161: {  	v5 =	vld [tilespmem:s5+$0x80]  }
0x162: {  	s25 =	simm.s32 $0x18080;
	v6 =	vld [tilespmem:s5+$0x100]  }
0x163: {  	p1 =	por $0x0, $0x0;
	s4 =	simm.s32 $0x1;
	v7 =	vld [tilespmem:s25+$0x0]  }
0x164: {  	s4 =	simm.s32 @!p1 $0x0;
	v8 =	vld [tilespmem:s5+$0x180]  }
0x165: {  	v9 =	vld [tilespmem:s5+$0x10180];
	s4 =	sshll.u32 s4, $0x6  }
0x166: {  	v10 =	vld [tilespmem:s5+$0x10200];
	s4 =	sadd.s32 $0x0, s4;
	v4 =	vmul.f32 v5, v4  }
0x167: {  	s6 =	sor.u32 $0x200, s4;
	v5 =	vld [tilespmem:s5+$0x200]  }
0x168: {  	v3 =	vmul.f32 v6, v3;
	v6 =	vld [tilespmem:s6+$0x80];
	v4 =	vadd.f32 v4, v7  }
0x169: {  	s26 =	sor.u32 $0x280, s4;
	v7 =	vld [tilespmem:s6+$0x10080]  }
0x16a: {  	v3 =	vadd.f32 v3, v4;
	v4 =	vmul.f32 v8, v9;
	v8 =	vld [tilespmem:s26+$0x80]  }
0x16b: {  	s28 =	sor.u32 $0x300, s4;
	v9 =	vld [tilespmem:s26+$0x10080]  }
0x16c: {  	v3 =	vadd.f32 v4, v3;
	v4 =	vmul.f32 v5, v10;
	v5 =	vld [tilespmem:s28+$0x80]  }
0x16d: {  	s29 =	sor.u32 $0x380, s4;
	v10 =	vld [tilespmem:s28+$0x10080]  }
0x16e: {  	v3 =	vadd.f32 v4, v3;
	v4 =	vmul.f32 v6, v7;
	v6 =	vld [tilespmem:s29+$0x80]  }
0x16f: {  	v7 =	vld [tilespmem:s29+$0x10080]  }
0x170: {  	v3 =	vadd.f32 v4, v3;
	v4 =	vmul.f32 v8, v9;
	_ =	sdelay $0x1  }
0x171: {  	v3 =	vadd.f32 v4, v3;
	v4 =	vmul.f32 v5, v10;
	_ =	sdelay $0x1  }
0x172: {  	v3 =	vadd.f32 v4, v3;
	v4 =	vmul.f32 v6, v7;
	_ =	sdelay $0x1  }
0x173: {  	v3 =	vadd.f32 v4, v3  }
0x174: {  	s30 =	sor.u32 $0x10, s3  }
0x175: {  	s6 =	sor.u32 s2, s30;
	[tilespmem:s25+$0x0] =	vst v3  }
0x176: {  	s26 =	sand.u32 $0xF80, s24;
	v3 =	vld [tilespmem:s6+$0x100]  }
0x177: {  	s28 =	sadd.s32 $0x18080, s26;
	v4 =	vld [tilespmem:s6+$0x80]  }
0x178: {  	s1 =	sor.u32 s30, s28;
	v5 =	vld [tilespmem:s6+$0x10080]  }
0x179: {  	v6 =	vld [tilespmem:s1+$0x0]  }
0x17a: {  	v7 =	vld [tilespmem:s6+$0x10100]  }
0x17b: {  	v8 =	vld [tilespmem:s6+$0x180]  }
0x17c: {  	v9 =	vld [tilespmem:s6+$0x10180]  }
0x17d: {  	s26 =	sadd.s32 $0x10, s4;
	v10 =	vld [tilespmem:s6+$0x10200];
	v4 =	vmul.f32 v4, v5  }
0x17e: {  	s5 =	sor.u32 $0x200, s26;
	v5 =	vld [tilespmem:s6+$0x200]  }
0x17f: {  	v3 =	vmul.f32 v3, v7;
	v7 =	vld [tilespmem:s5+$0x10080];
	v4 =	vadd.f32 v4, v6  }
0x180: {  	s29 =	sor.u32 $0x280, s26;
	v6 =	vld [tilespmem:s5+$0x80]  }
0x181: {  	v3 =	vadd.f32 v3, v4;
	v4 =	vmul.f32 v8, v9;
	v8 =	vld [tilespmem:s29+$0x80]  }
0x182: {  	s30 =	sor.u32 $0x300, s26;
	v9 =	vld [tilespmem:s29+$0x10080]  }
0x183: {  	v3 =	vadd.f32 v4, v3;
	v4 =	vmul.f32 v5, v10;
	v5 =	vld [tilespmem:s30+$0x80]  }
0x184: {  	s5 =	sor.u32 $0x380, s26;
	v10 =	vld [tilespmem:s30+$0x10080]  }
0x185: {  	v3 =	vadd.f32 v4, v3;
	v4 =	vmul.f32 v6, v7;
	v6 =	vld [tilespmem:s5+$0x80]  }
0x186: {  	v7 =	vld [tilespmem:s5+$0x10080]  }
0x187: {  	v3 =	vadd.f32 v4, v3;
	v4 =	vmul.f32 v8, v9;
	_ =	sdelay $0x1  }
0x188: {  	v3 =	vadd.f32 v4, v3;
	v4 =	vmul.f32 v5, v10;
	_ =	sdelay $0x1  }
0x189: {  	v3 =	vadd.f32 v4, v3;
	v4 =	vmul.f32 v6, v7;
	_ =	sdelay $0x1  }
0x18a: {  	v3 =	vadd.f32 v4, v3  }
0x18b: {  	s26 =	sor.u32 $0x20, s3  }
0x18c: {  	s29 =	sor.u32 s2, s26;
	[tilespmem:s1+$0x0] =	vst v3  }
0x18d: {  	v3 =	vld [tilespmem:s29+$0x10100]  }
0x18e: {  	v4 =	vld [tilespmem:s29+$0x80]  }
0x18f: {  	v5 =	vld [tilespmem:s29+$0x10080]  }
0x190: {  	s6 =	sor.u32 s26, s28;
	v6 =	vld [tilespmem:s29+$0x100]  }
0x191: {  	v7 =	vld [tilespmem:s6+$0x0]  }
0x192: {  	v8 =	vld [tilespmem:s29+$0x180]  }
0x193: {  	v9 =	vld [tilespmem:s29+$0x10180]  }
0x194: {  	s26 =	sadd.s32 $0x20, s4;
	v10 =	vld [tilespmem:s29+$0x10200];
	v4 =	vmul.f32 v4, v5  }
0x195: {  	s30 =	sor.u32 $0x200, s26;
	v5 =	vld [tilespmem:s29+$0x200]  }
0x196: {  	v3 =	vmul.f32 v6, v3;
	v6 =	vld [tilespmem:s30+$0x80];
	v4 =	vadd.f32 v4, v7  }
0x197: {  	s5 =	sor.u32 $0x280, s26;
	v7 =	vld [tilespmem:s30+$0x10080]  }
0x198: {  	v3 =	vadd.f32 v3, v4;
	v4 =	vmul.f32 v8, v9;
	v8 =	vld [tilespmem:s5+$0x80]  }
0x199: {  	s29 =	sor.u32 $0x300, s26;
	v9 =	vld [tilespmem:s5+$0x10080]  }
0x19a: {  	v3 =	vadd.f32 v4, v3;
	v4 =	vmul.f32 v5, v10;
	v5 =	vld [tilespmem:s29+$0x80]  }
0x19b: {  	s30 =	sor.u32 $0x380, s26;
	v10 =	vld [tilespmem:s29+$0x10080]  }
0x19c: {  	v3 =	vadd.f32 v4, v3;
	v4 =	vmul.f32 v6, v7;
	v6 =	vld [tilespmem:s30+$0x80]  }
0x19d: {  	v7 =	vld [tilespmem:s30+$0x10080]  }
0x19e: {  	v3 =	vadd.f32 v4, v3;
	v4 =	vmul.f32 v8, v9;
	_ =	sdelay $0x1  }
0x19f: {  	v3 =	vadd.f32 v4, v3;
	v4 =	vmul.f32 v5, v10;
	_ =	sdelay $0x1  }
0x1a0: {  	v3 =	vadd.f32 v4, v3;
	v4 =	vmul.f32 v6, v7;
	_ =	sdelay $0x1  }
0x1a1: {  	v3 =	vadd.f32 v4, v3  }
0x1a2: {  	s5 =	sor.u32 $0x30, s3  }
0x1a3: {  	s3 =	sor.u32 s2, s5;
	[tilespmem:s6+$0x0] =	vst v3  }
0x1a4: {  	v3 =	vld [tilespmem:s3+$0x100]  }
0x1a5: {  	v4 =	vld [tilespmem:s3+$0x10100]  }
0x1a6: {  	v5 =	vld [tilespmem:s3+$0x80]  }
0x1a7: {  	s2 =	sor.u32 s5, s28;
	v6 =	vld [tilespmem:s3+$0x10080]  }
0x1a8: {  	v7 =	vld [tilespmem:s2+$0x0]  }
0x1a9: {  	v8 =	vld [tilespmem:s3+$0x10180]  }
0x1aa: {  	v9 =	vld [tilespmem:s3+$0x180]  }
0x1ab: {  	s26 =	sadd.s32 $0x30, s4;
	v10 =	vld [tilespmem:s3+$0x10200]  }
0x1ac: {  	s28 =	sor.u32 $0x200, s26;
	v11 =	vld [tilespmem:s3+$0x200];
	v5 =	vmul.f32 v5, v6  }
0x1ad: {  	v12 =	vld [tilespmem:s28+$0x10080]  }
0x1ae: {  	s29 =	sor.u32 $0x280, s26;
	v13 =	vld [tilespmem:s28+$0x80];
	v6 =	vmul.f32 v3, v4;
	v5 =	vadd.f32 v5, v7  }
0x1af: {  	v3 =	vld [tilespmem:s29+$0x10080]  }
0x1b0: {  	s30 =	sor.u32 $0x300, s26;
	v4 =	vld [tilespmem:s29+$0x80];
	v7 =	vmul.f32 v9, v8;
	v8 =	vadd.f32 v6, v5  }
0x1b1: {  	v5 =	vld [tilespmem:s30+$0x10080]  }
0x1b2: {  	s3 =	sor.u32 $0x380, s26;
	v9 =	vmul.f32 v11, v10;
	v6 =	vld [tilespmem:s30+$0x80];
	v10 =	vadd.f32 v7, v8  }
0x1b3: {  	s4 =	simm.s32 $0x200;
	v8 =	vmul.f32 v13, v12;
	v7 =	vld [tilespmem:s3+$0x10080]  }
.LBB2_7:
0x1b4: {  	v9 =	vadd.f32 v9, v10;
	v10 =	vld [tilespmem:s3+$0x80];
	p1 =	por !p1, !p1;
	s24 =	sadd.s32 $0x40, s24;
	s25 =	sadd.s32 $0x40, s25  }
0x1b5: {  	p2 =	sne.s32 s4, $0x7E00;
	s1 =	smov.u32 s4;
	s4 =	sadd.s32 $0x200, s4;
	v3 =	vmul.f32 v4, v3  }
0x1b6: {  	v4 =	vadd.f32 v8, v9  }
0x1b7: {  	v5 =	vmul.f32 v6, v5  }
0x1b8: {  	v3 =	vadd.f32 v3, v4  }
0x1b9: {  	v4 =	vmul.f32 v10, v7  }
0x1ba: {  	v3 =	vadd.f32 v5, v3;
	_ =	sdelay $0x1  }
0x1bb: {  	v3 =	vadd.f32 v4, v3  }
0x1bc: {  	s30 =	sand.u32 $0x40, s24;
	s29 =	sand.u32 $0x7C00, s1  }
0x1bd: {  	s3 =	sor.u32 s30, s29;
	s26 =	sor.u32 $0x10, s30;
	[tilespmem:s2+$0x0] =	vst v3  }
0x1be: {  	v3 =	vld [tilespmem:s3+$0x10100]  }
0x1bf: {  	v4 =	vld [tilespmem:s3+$0x100]  }
0x1c0: {  	v5 =	vld [tilespmem:s3+$0x10080]  }
0x1c1: {  	v6 =	vld [tilespmem:s3+$0x80];
	_ =	sdelay $0x1  }
0x1c2: {  	s2 =	simm.s32 $0x1;
	v7 =	vld [tilespmem:s25+$0x0]  }
0x1c3: {  	s2 =	simm.s32 @!p1 $0x0;
	v8 =	vld [tilespmem:s3+$0x180]  }
0x1c4: {  	s2 =	sshll.u32 s2, $0x6;
	v3 =	vmul.f32 v4, v3;
	v4 =	vld [tilespmem:s3+$0x10180]  }
0x1c5: {  	s6 =	sadd.s32 s2, s1;
	v5 =	vmul.f32 v6, v5;
	v6 =	vld [tilespmem:s3+$0x200]  }
0x1c6: {  	s1 =	sor.u32 $0x200, s6;
	s28 =	sadd.s32 $0x30, s6;
	v9 =	vld [tilespmem:s3+$0x10200];
	s3 =	sadd.s32 $0x20, s6  }
0x1c7: {  	v5 =	vadd.f32 v5, v7;
	v7 =	vld [tilespmem:s1+$0x80]  }
0x1c8: {  	v10 =	vld [tilespmem:s1+$0x10080];
	s1 =	sor.u32 $0x280, s6  }
0x1c9: {  	v3 =	vadd.f32 v3, v5;
	v4 =	vmul.f32 v8, v4;
	v5 =	vld [tilespmem:s1+$0x80]  }
0x1ca: {  	v8 =	vld [tilespmem:s1+$0x10080];
	s1 =	sor.u32 $0x300, s6  }
0x1cb: {  	v3 =	vadd.f32 v4, v3;
	v4 =	vmul.f32 v6, v9;
	v6 =	vld [tilespmem:s1+$0x80]  }
0x1cc: {  	v9 =	vld [tilespmem:s1+$0x10080];
	s1 =	sor.u32 $0x380, s6  }
0x1cd: {  	v3 =	vadd.f32 v4, v3;
	v4 =	vmul.f32 v7, v10;
	v7 =	vld [tilespmem:s1+$0x80]  }
0x1ce: {  	v10 =	vld [tilespmem:s1+$0x10080]  }
0x1cf: {  	v3 =	vadd.f32 v4, v3;
	v4 =	vmul.f32 v5, v8;
	_ =	sdelay $0x1  }
0x1d0: {  	v3 =	vadd.f32 v4, v3;
	v4 =	vmul.f32 v6, v9;
	_ =	sdelay $0x1  }
0x1d1: {  	v3 =	vadd.f32 v4, v3;
	v4 =	vmul.f32 v7, v10;
	_ =	sdelay $0x1  }
0x1d2: {  	v3 =	vadd.f32 v4, v3;
	_ =	sdelay $0x1  }
0x1d3: {  	s1 =	sor.u32 s29, s26;
	[tilespmem:s25+$0x0] =	vst v3  }
0x1d4: {  	s2 =	sand.u32 $0xF80, s24;
	v3 =	vld [tilespmem:s1+$0x100]  }
0x1d5: {  	s2 =	sadd.s32 $0x18080, s2;
	v4 =	vld [tilespmem:s1+$0x80]  }
0x1d6: {  	s26 =	sor.u32 s26, s2;
	v5 =	vld [tilespmem:s1+$0x10080]  }
0x1d7: {  	v6 =	vld [tilespmem:s26+$0x0]  }
0x1d8: {  	v7 =	vld [tilespmem:s1+$0x10100]  }
0x1d9: {  	v8 =	vld [tilespmem:s1+$0x180]  }
0x1da: {  	v9 =	vld [tilespmem:s1+$0x10180]  }
0x1db: {  	s6 =	sadd.s32 $0x10, s6;
	v4 =	vmul.f32 v4, v5;
	v5 =	vld [tilespmem:s1+$0x200]  }
0x1dc: {  	v10 =	vld [tilespmem:s1+$0x10200];
	s1 =	sor.u32 $0x200, s6  }
0x1dd: {  	v4 =	vadd.f32 v4, v6;
	v3 =	vmul.f32 v3, v7;
	v6 =	vld [tilespmem:s1+$0x80]  }
0x1de: {  	v7 =	vld [tilespmem:s1+$0x10080];
	s1 =	sor.u32 $0x280, s6  }
0x1df: {  	v3 =	vadd.f32 v3, v4;
	v4 =	vmul.f32 v8, v9;
	v8 =	vld [tilespmem:s1+$0x80]  }
0x1e0: {  	v9 =	vld [tilespmem:s1+$0x10080];
	s1 =	sor.u32 $0x300, s6  }
0x1e1: {  	v3 =	vadd.f32 v4, v3;
	v4 =	vmul.f32 v5, v10;
	v5 =	vld [tilespmem:s1+$0x80]  }
0x1e2: {  	v10 =	vld [tilespmem:s1+$0x10080];
	s1 =	sor.u32 $0x380, s6  }
0x1e3: {  	v3 =	vadd.f32 v4, v3;
	v4 =	vmul.f32 v6, v7;
	v6 =	vld [tilespmem:s1+$0x80]  }
0x1e4: {  	v7 =	vld [tilespmem:s1+$0x10080]  }
0x1e5: {  	v3 =	vadd.f32 v4, v3;
	v4 =	vmul.f32 v8, v9;
	_ =	sdelay $0x1  }
0x1e6: {  	v3 =	vadd.f32 v4, v3;
	v4 =	vmul.f32 v5, v10;
	_ =	sdelay $0x1  }
0x1e7: {  	v3 =	vadd.f32 v4, v3;
	v4 =	vmul.f32 v6, v7;
	_ =	sdelay $0x1  }
0x1e8: {  	v3 =	vadd.f32 v4, v3  }
0x1e9: {  	s1 =	sor.u32 $0x20, s30  }
0x1ea: {  	s6 =	sor.u32 s29, s1;
	[tilespmem:s26+$0x0] =	vst v3  }
0x1eb: {  	v3 =	vld [tilespmem:s6+$0x10100]  }
0x1ec: {  	v4 =	vld [tilespmem:s6+$0x80]  }
0x1ed: {  	v5 =	vld [tilespmem:s6+$0x10080]  }
0x1ee: {  	s1 =	sor.u32 s1, s2;
	v6 =	vld [tilespmem:s6+$0x100]  }
0x1ef: {  	v7 =	vld [tilespmem:s1+$0x0]  }
0x1f0: {  	v8 =	vld [tilespmem:s6+$0x180]  }
0x1f1: {  	v9 =	vld [tilespmem:s6+$0x10180]  }
0x1f2: {  	v4 =	vmul.f32 v4, v5;
	v5 =	vld [tilespmem:s6+$0x200]  }
0x1f3: {  	v3 =	vmul.f32 v6, v3;
	v6 =	vld [tilespmem:s6+$0x10200];
	s6 =	sor.u32 $0x200, s3  }
0x1f4: {  	v4 =	vadd.f32 v4, v7;
	v7 =	vld [tilespmem:s6+$0x80]  }
0x1f5: {  	v10 =	vld [tilespmem:s6+$0x10080];
	s6 =	sor.u32 $0x280, s3  }
0x1f6: {  	v3 =	vadd.f32 v3, v4;
	v4 =	vmul.f32 v8, v9;
	v8 =	vld [tilespmem:s6+$0x80]  }
0x1f7: {  	v9 =	vld [tilespmem:s6+$0x10080];
	s6 =	sor.u32 $0x300, s3  }
0x1f8: {  	v3 =	vadd.f32 v4, v3;
	v4 =	vmul.f32 v5, v6;
	v5 =	vld [tilespmem:s6+$0x80]  }
0x1f9: {  	s3 =	sor.u32 $0x380, s3;
	v6 =	vld [tilespmem:s6+$0x10080]  }
0x1fa: {  	v3 =	vadd.f32 v4, v3;
	v4 =	vmul.f32 v7, v10;
	v7 =	vld [tilespmem:s3+$0x80]  }
0x1fb: {  	v10 =	vld [tilespmem:s3+$0x10080]  }
0x1fc: {  	v3 =	vadd.f32 v4, v3;
	v4 =	vmul.f32 v8, v9;
	_ =	sdelay $0x1  }
0x1fd: {  	v3 =	vadd.f32 v4, v3;
	v4 =	vmul.f32 v5, v6;
	_ =	sdelay $0x1  }
0x1fe: {  	v3 =	vadd.f32 v4, v3;
	v4 =	vmul.f32 v7, v10;
	_ =	sdelay $0x1  }
0x1ff: {  	v3 =	vadd.f32 v4, v3  }
0x200: {  	s3 =	sor.u32 $0x30, s30  }
0x201: {  	[tilespmem:s1+$0x0] =	vst v3;
	s1 =	sor.u32 s29, s3  }
0x202: {  	v3 =	vld [tilespmem:s1+$0x100]  }
0x203: {  	v4 =	vld [tilespmem:s1+$0x10100]  }
0x204: {  	v5 =	vld [tilespmem:s1+$0x80]  }
0x205: {  	s2 =	sor.u32 s3, s2;
	v6 =	vld [tilespmem:s1+$0x10080]  }
0x206: {  	v7 =	vld [tilespmem:s2+$0x0]  }
0x207: {  	v8 =	vld [tilespmem:s1+$0x10180]  }
0x208: {  	v9 =	vld [tilespmem:s1+$0x180]  }
0x209: {  	v10 =	vld [tilespmem:s1+$0x10200]  }
0x20a: {  	v4 =	vmul.f32 v3, v4;
	v5 =	vmul.f32 v5, v6;
	v6 =	vld [tilespmem:s1+$0x200];
	s1 =	sor.u32 $0x200, s28  }
0x20b: {  	v11 =	vld [tilespmem:s1+$0x10080]  }
0x20c: {  	v5 =	vadd.f32 v5, v7;
	v7 =	vld [tilespmem:s1+$0x80];
	s1 =	sor.u32 $0x280, s28  }
.Ltmp2:
0x20d: {  	v8 =	vmul.f32 v9, v8;
	v3 =	vld [tilespmem:s1+$0x10080];
	(pc) =	sbr.rel @p2 .LBB2_7-.Ltmp2, $4  }
0x20e: {  	v12 =	vadd.f32 v4, v5;
	v4 =	vld [tilespmem:s1+$0x80];
	s1 =	sor.u32 $0x300, s28  }
0x20f: {  	v9 =	vmul.f32 v6, v10;
	v5 =	vld [tilespmem:s1+$0x10080]  }
0x210: {  	s3 =	sor.u32 $0x380, s28;
	v10 =	vadd.f32 v8, v12;
	v6 =	vld [tilespmem:s1+$0x80]  }
0x211: {  	v8 =	vmul.f32 v7, v11;
	v7 =	vld [tilespmem:s3+$0x10080]  }
0x212: {  	v9 =	vadd.f32 v9, v10  }
0x213: {  	v61 =	vld [tilespmem:s3+$0x80]  }
0x214: {  	v3 =	vmul.f32 v4, v3;
	v62 =	vadd.f32 v8, v9;
	_ =	sdelay $0x1  }
0x215: {  	v5 =	vmul.f32 v6, v5;
	v3 =	vadd.f32 v3, v62;
	_ =	sdelay $0x1  }
0x216: {  	v63 =	vmul.f32 v61, v7;
	v3 =	vadd.f32 v5, v3  }
.Ltmp3:
0x217: {  	s1 =	rddreg [dreg:$0x5];
	(pc) =	sbr.rel @p0 .LBB2_4-.Ltmp3, $4  }
0x218: {  	s28 =	rddreg [dreg:$0x2];
	s1 =	sor.u32 s1, s23;
	v3 =	vadd.f32 v63, v3  }
0x219: {  	s29 =	simm.s32 $0x0;
	s30 =	simm.s32 $0x80;
	s1 =	sshll.u32 s1, $0x9  }
0x21a: {  	p2 =	por $0x0, $0x0;
	s23 =	simm.s32 $0x1;
	s1 =	sadd.s32 s28, s1;
	[tilespmem:s2+$0x0] =	vst v3  }
0x21b: {  	[tilespmem:s30], [sflag:$0x1] =	stream.linear.gather [hbm4b:s1+s29], $0x8000, $0x38;
	[tilespmem:$0x19080] =	vst v63  }
0x21c: {  	_ =	swait.ge [sflag:s0], $0x8000  }
0x21d: {  	[sflag:s0] =	ssyncset.done $0x0  }
0x21e: {  	s1 =	simm.s32 $0x2;
	[sflag:s0] =	ssyncadd.s32 $0xFFFF8000  }
0x21f: {  	_ =	swait.ge [sflag:s1], $0x8000  }
0x220: {  	s2 =	simm.s32 $0x80;
	s3 =	simm.s32 $0x400;
	[sflag:s1] =	ssyncset.done $0x0  }
0x221: {  	s4 =	simm.s32 $0x18080;
	s28 =	rddreg [dreg:$0x8];
	[sflag:s1] =	ssyncadd.s32 $0xFFFF8000  }
0x222: {  	[hbm4b:s28+s2] =	stream.strided.scatter [tilespmem:s4], [sflag:$0x4], $0x1000, s3, s2, $0x38;
	[tilespmem:$0x19080] =	vst v63  }
0x223: {  	s3 =	simm.s32 $0x4  }
0x224: {  	_ =	swait.ge [sflag:s3], $0x1000  }
0x225: {  	s29 =	rddreg [dreg:$0xa]  }
0x226: {  	s30 =	rddreg [dreg:$0x9];
	s2 =	sadd.s32 $0x1, s29  }
0x227: {  	p0 =	sne.s32 s2, s30  }
.Ltmp4:
0x228: {  	_ = 	snop;
	(pc) =	sbr.rel @p0 .LBB2_1-.Ltmp4, $3  }
0x229: {  	_ =	sdelay $0x1  }
0x22a: {  	[sflag:s3] =	ssyncset.done $0x0  }
0x22b: {  	[sflag:s3] =	ssyncadd.s32 $0xFFFFF000  }
0x22c: {  	_ =	sfence.sel $0x180000  }
0x22d: {  	[bflag:$0x0] =	sbarrier.arrive $0xFFFF  }
0x22e: {  	_ =	strace $0x90000047  }
0x22f: {  	s0 =	stileid.u32;
	[bflag:$0x2] =	sbarrier.arrive $0xFFFF  }
0x230: {  	p0 =	sne.s32 s0, $0x0;
	s0 =	rddreg [dreg:$0x4]  }
0x231: {  	s0 =	sadd.s32 @!p0 $0x100000, s0  }
0x232: {  	[sflag:s0] =	ssyncadd.tile.s32 @!p0 $0x1;
	_ =	shalt  }
.Lfunc_end2:
_tile_overlayer_lowered:
.L_overlay_start_2:
0x233: {  	(tag) =	ssettag $0x2  }
0x234: {  	s0 =	rddreg [dreg:$0x0];
	s2 =	stileid.u32  }
0x235: {  	s1 =	rddreg [dreg:$0x1];
	p0 =	sne.s32 s2, $0x0  }
0x236: {  	s3 =	rddreg [dreg:$0x2];
	[bflag:$0x3] =	sbarrier.arrive $0xFFFF;
	s2 =	simm.s32 @!p0 $0x1C04  }
0x237: {  	[timem:s3], [sflag:s2] =	dma.local @!p0 [hbm:s0], s1  }
0x238: {  	s0 =	simm.s32 @!p0 $0x4  }
0x239: {  	_ =	swait.ge @!p0 [sflag:s0], s1  }
0x23a: {  	s1 =	ssub.s32 @!p0 $0x0, s1;
	[sflag:s0] =	ssyncset.done @!p0 $0x0  }
0x23b: {  	[sflag:s0] =	ssyncadd.s32 @!p0 s1  }
0x23c: {  	[bflag:$0x3] =	sbarrier.arrive $0xFFFF  }
0x23d: {  	_ =	shalt  }

</sc_bundles>
